<compile_context>
chip_gen: v7x
topology: tpu7x:2x2x1
jax: 0.10.2.dev20260603
libtpu: 0.0.44.dev20260713+nightly
codegen_flags: <defaults>
</compile_context>

<pallas_src>
import jax
import jax.numpy as jnp
from jax import lax
from jax.experimental import pallas as pl
from jax.experimental.pallas import tpu as pltpu
from jax.experimental.pallas import tpu_sc as plsc

_NUM_CLASSES = 1000
_ALPHA = 0.3

_N = 16384
_D = 128
_NC = 2
_NS = 16
_NW = _NC * _NS
_RPT = _N // _NW
_CHUNK = 128
_NCHUNK = _RPT // _CHUNK
_CPAD = 1024
_ZROWS = _CPAD // _NS
_CW = 16


def _vmesh():
  return plsc.VectorSubcoreMesh(core_axis_name="c", subcore_axis_name="s")


def _sc_stats_body(x_hbm, xsq_hbm, y2_hbm, zeros_hbm, zeros16_hbm, ones_hbm,
                   s_out, s2_out, cnt_out,
                   s_sh, s2_sh, cnt_sh, xa, xb, qa, qb, idx_v, ones_v, sem):
  core = lax.axis_index("c")
  sid = lax.axis_index("s")
  wid = sid * _NC + core
  base = wid * _RPT
  zsl = pl.ds(sid * _ZROWS, _ZROWS)

  pltpu.sync_copy(zeros_hbm, s_sh.at[zsl])
  pltpu.sync_copy(zeros_hbm, s2_sh.at[zsl])
  pltpu.sync_copy(zeros16_hbm, cnt_sh.at[zsl])
  pltpu.sync_copy(ones_hbm, ones_v)
  pltpu.sync_copy(y2_hbm.at[pl.ds(wid * _NCHUNK, _NCHUNK)], idx_v)
  plsc.subcore_barrier()

  bufs = ((xa, qa), (xb, qb))
  cp_x = pltpu.async_copy(x_hbm.at[pl.ds(base, _CHUNK)], xa, sem)
  cp_q = pltpu.async_copy(xsq_hbm.at[pl.ds(base, _CHUNK)], qa, sem)
  pending = (cp_x, cp_q)
  for j in range(_NCHUNK):
    cur_x, cur_q = bufs[j % 2]
    pending[0].wait()
    pending[1].wait()
    if j + 1 < _NCHUNK:
      nxt_x, nxt_q = bufs[(j + 1) % 2]
      off = base + (j + 1) * _CHUNK
      pending = (pltpu.async_copy(x_hbm.at[pl.ds(off, _CHUNK)], nxt_x, sem),
                 pltpu.async_copy(xsq_hbm.at[pl.ds(off, _CHUNK)], nxt_q, sem))
    pltpu.sync_copy(cur_x, s_sh.at[idx_v.at[j]], add=True)
    pltpu.sync_copy(cur_q, s2_sh.at[idx_v.at[j]], add=True)
    pltpu.sync_copy(ones_v, cnt_sh.at[idx_v.at[j]], add=True)

  plsc.subcore_barrier()
  pltpu.sync_copy(s_sh.at[zsl], s_out.at[core, zsl])
  pltpu.sync_copy(s2_sh.at[zsl], s2_out.at[core, zsl])
  pltpu.sync_copy(cnt_sh.at[zsl], cnt_out.at[core, zsl])


def _sc_gather_body(tab_hbm, ny2_hbm, g_out, g_v, idx_v, sg, ss):
  core = lax.axis_index("c")
  sid = lax.axis_index("s")
  wid = sid * _NC + core
  base = wid * _NCHUNK

  pltpu.sync_copy(ny2_hbm.at[pl.ds(base, _NCHUNK)], idx_v)
  gath = [None, None]
  stor = [None, None]
  for j in range(2):
    gath[j] = pltpu.async_copy(tab_hbm.at[idx_v.at[j]], g_v.at[j], sg)
  for j in range(_NCHUNK):
    b = j % 2
    gath[b].wait()
    stor[b] = pltpu.async_copy(g_v.at[b], g_out.at[base + j], ss)
    if j + 2 < _NCHUNK:
      stor[b].wait()
      gath[b] = pltpu.async_copy(tab_hbm.at[idx_v.at[j + 2]], g_v.at[b], sg)
  stor[0].wait()
  stor[1].wait()


def _tc_square_body(x_ref, o_ref):
  x = x_ref[...]
  o_ref[...] = x * x


def _tc_finalize_body(s_ref, s2_ref, c_ref, o_ref):
  s = s_ref[0] + s_ref[1]
  s2 = s2_ref[0] + s2_ref[1]
  cnt = c_ref[0, :, 0:1] + c_ref[1, :, 0:1]
  mean = s / cnt
  var = (s2 - cnt * mean * mean) / (cnt - 1.0)
  std = jnp.sqrt(jnp.maximum(var, 0.0))
  o_ref[:, 0:_D] = mean
  o_ref[:, _D:2 * _D] = std


def _tc_combine_body(x_ref, e_ref, g_ref, o_ref):
  g = g_ref[...]
  noise = g[:, 0:_D] + g[:, _D:2 * _D] * e_ref[...]
  o_ref[...] = (1.0 - _ALPHA) * x_ref[...] + _ALPHA * noise


def _segment_stats(x, xsq, y2, zeros, zeros16, ones):
  sds = jax.ShapeDtypeStruct((_NC, _CPAD, _D), jnp.float32)
  cds = jax.ShapeDtypeStruct((_NC, _CPAD, _CW), jnp.float32)
  k = pl.kernel(
      _sc_stats_body,
      out_type=(sds, sds, cds),
      mesh=_vmesh(),
      scratch_types=[
          pltpu.VMEM_SHARED((_CPAD, _D), jnp.float32),
          pltpu.VMEM_SHARED((_CPAD, _D), jnp.float32),
          pltpu.VMEM_SHARED((_CPAD, _CW), jnp.float32),
          pltpu.VMEM((_CHUNK, _D), jnp.float32),
          pltpu.VMEM((_CHUNK, _D), jnp.float32),
          pltpu.VMEM((_CHUNK, _D), jnp.float32),
          pltpu.VMEM((_CHUNK, _D), jnp.float32),
          pltpu.VMEM((_NCHUNK, _CHUNK), jnp.int32),
          pltpu.VMEM((_CHUNK, _CW), jnp.float32),
          pltpu.SemaphoreType.DMA,
      ],
  )
  return k(x, xsq, y2, zeros, zeros16, ones)


def _gather_rows(tab, ny2):
  k = pl.kernel(
      _sc_gather_body,
      out_type=jax.ShapeDtypeStruct((_N // _CHUNK, _CHUNK, 2 * _D),
                                    jnp.float32),
      mesh=_vmesh(),
      scratch_types=[
          pltpu.VMEM((2, _CHUNK, 2 * _D), jnp.float32),
          pltpu.VMEM((_NCHUNK, _CHUNK), jnp.int32),
          pltpu.SemaphoreType.DMA,
          pltpu.SemaphoreType.DMA,
      ],
  )
  return k(tab, ny2)


def _resample(y, key):
  k1, k2 = jax.random.split(key)
  perm = jax.random.permutation(k1, y.shape[0])
  ny = y[perm]

  k = k2
  for _ in range(1):
    k, sub = jax.random.split(k)
    rand = jax.random.randint(sub, y.shape, 0, _NUM_CLASSES).astype(y.dtype)
    ny = jnp.where(ny == y, rand, ny)

  def cond(state):
    n, _ = state
    return jnp.any(n == y)

  def body(state):
    n, kk = state
    kk, sub = jax.random.split(kk)
    rand = jax.random.randint(sub, y.shape, 0, _NUM_CLASSES).astype(y.dtype)
    n = jnp.where(n == y, rand, n)
    return (n, kk)

  ny, _ = jax.lax.while_loop(cond, body, (ny, k))
  return ny


def kernel(x, y):
  k_perm, k_noise = jax.random.split(jax.random.key(42))
  new_y = _resample(y, k_perm)

  blk = 1024
  xsq = pl.pallas_call(
      _tc_square_body,
      grid=(_N // blk,),
      in_specs=[pl.BlockSpec((blk, _D), lambda i: (i, 0))],
      out_specs=pl.BlockSpec((blk, _D), lambda i: (i, 0)),
      out_shape=jax.ShapeDtypeStruct((_N, _D), jnp.float32),
  )(x)

  zeros = jnp.zeros((_ZROWS, _D), jnp.float32)
  zeros16 = jnp.zeros((_ZROWS, _CW), jnp.float32)
  ones = jnp.ones((_CHUNK, _CW), jnp.float32)
  y2 = y.reshape(_N // _CHUNK, _CHUNK)
  s_p, s2_p, cnt_p = _segment_stats(x, xsq, y2, zeros, zeros16, ones)

  tab = pl.pallas_call(
      _tc_finalize_body,
      out_shape=jax.ShapeDtypeStruct((_CPAD, 2 * _D), jnp.float32),
  )(s_p, s2_p, cnt_p)

  ny2 = new_y.reshape(_N // _CHUNK, _CHUNK)
  gmgs = _gather_rows(tab, ny2).reshape(_N, 2 * _D)

  kd, _ = jax.lax.optimization_barrier((jax.random.key_data(k_noise), tab))
  eps = jax.random.normal(jax.random.wrap_key_data(kd), x.shape,
                          dtype=x.dtype)

  out = pl.pallas_call(
      _tc_combine_body,
      grid=(_N // blk,),
      in_specs=[
          pl.BlockSpec((blk, _D), lambda i: (i, 0)),
          pl.BlockSpec((blk, _D), lambda i: (i, 0)),
          pl.BlockSpec((blk, 2 * _D), lambda i: (i, 0)),
      ],
      out_specs=pl.BlockSpec((blk, _D), lambda i: (i, 0)),
      out_shape=jax.ShapeDtypeStruct((_N, _D), jnp.float32),
  )(x, eps, gmgs)

  return (out, new_y)

# --- scband reference (transcript-rebuilt; emitter-appended) ---
"""Pipeline reference for scband-noise-layer-85083302134264 (READ-ONLY COPY).

The authoritative reference and input builder live on the scoring server;
editing this copy changes nothing except your own understanding.
"""

import jax, jax.numpy as jnp
import numpy as np

NUM_CLASSES = 1000
ALPHA = 0.3

def setup_inputs(seed: int = 0) -> dict:
    key = jax.random.key(seed)
    k1, k2 = jax.random.split(key)
    x = jax.random.normal(k1, (16384, 128), dtype=jnp.float32)
    y = jax.random.randint(k2, (16384,), 0, NUM_CLASSES).astype(jnp.int64)
    return {"x": x, "y": y}

def _class_mean_std(x, y):
    counts = jnp.bincount(y, length=NUM_CLASSES).astype(x.dtype)
    s = jax.ops.segment_sum(x, y, num_segments=NUM_CLASSES)
    mean = s / counts[:, None]
    s2 = jax.ops.segment_sum(x * x, y, num_segments=NUM_CLASSES)
    # torch .std(0) is unbiased (ddof=1)
    var = (s2 - counts[:, None] * mean * mean) / (counts[:, None] - 1.0)
    std = jnp.sqrt(jnp.maximum(var, 0.0))
    return mean, std

def _resample_new_labels(y, key):
    k1, k2 = jax.random.split(key)
    perm = jax.random.permutation(k1, y.shape[0])
    newY = y[perm]
    def cond(state):
        nY, k = state
        return jnp.any(nY == y)
    def body(state):
        nY, k = state
        k, sub = jax.random.split(k)
        rand = jax.random.randint(sub, y.shape, 0, NUM_CLASSES).astype(y.dtype)
        nY = jnp.where(nY == y, rand, nY)
        return (nY, k)
    newY, _ = jax.lax.while_loop(cond, body, (newY, k2))
    return newY

def reference(x, y):
    class_mean, class_std = _class_mean_std(x, y)
    key = jax.random.key(42)
    k_perm, k_noise = jax.random.split(key)
    newY = _resample_new_labels(y, k_perm)
    eps = jax.random.normal(k_noise, x.shape, dtype=x.dtype)
    class_noise = class_mean[newY] + class_std[newY] * eps
    class_noise = jax.lax.stop_gradient(class_noise)
    out = (1.0 - ALPHA) * x + ALPHA * class_noise
    return (out, newY)

if __name__ == "__main__":
    import jax
    _d = setup_inputs()
    print(jax.jit(kernel)(*tuple(_d.values())))

</pallas_src>

<mosaic_0001>
#map = affine_map<(d0, d1) -> (0, 0)>
#map1 = affine_map<(d0, d1) -> (0, 0, 0)>
module attributes {stable_mosaic.version = 14 : i64} {
  func.func @_sc_stats_body(%arg0: i32, %arg1: i32, %arg2: memref<16384x128xf32, #tpu.memory_space<hbm>>, %arg3: memref<16384x128xf32, #tpu.memory_space<hbm>>, %arg4: memref<128x128xi32, #tpu.memory_space<hbm>>, %arg5: memref<64x128xf32, #tpu.memory_space<hbm>>, %arg6: memref<64x16xf32, #tpu.memory_space<hbm>>, %arg7: memref<128x16xf32, #tpu.memory_space<hbm>>, %arg8: memref<2x1024x128xf32, #tpu.memory_space<hbm>>, %arg9: memref<2x1024x128xf32, #tpu.memory_space<hbm>>, %arg10: memref<2x1024x16xf32, #tpu.memory_space<hbm>>, %arg11: memref<1024x128xf32, #tpu.memory_space<vmem_shared>>, %arg12: memref<1024x128xf32, #tpu.memory_space<vmem_shared>>, %arg13: memref<1024x16xf32, #tpu.memory_space<vmem_shared>>, %arg14: memref<128x128xf32, #tpu.memory_space<vmem>>, %arg15: memref<128x128xf32, #tpu.memory_space<vmem>>, %arg16: memref<128x128xf32, #tpu.memory_space<vmem>>, %arg17: memref<128x128xf32, #tpu.memory_space<vmem>>, %arg18: memref<4x128xi32, #tpu.memory_space<vmem>>, %arg19: memref<128x16xf32, #tpu.memory_space<vmem>>, %arg20: memref<!tpu.dma_semaphore, #tpu.memory_space<semaphore_mem>>) attributes {dimension_semantics = [#tpu.dimension_semantics<core_parallel>, #tpu.dimension_semantics<subcore_parallel>], iteration_bounds = array<i64: 2, 16>, scalar_prefetch = 0 : i64, scratch_operands = 10 : i64, tpu.core_type = #tpu.core_type<sc_vector_subcore>, window_params = [{transform_indices = #map}, {transform_indices = #map}, {transform_indices = #map}, {transform_indices = #map}, {transform_indices = #map}, {transform_indices = #map}, {transform_indices = #map1}, {transform_indices = #map1}, {transform_indices = #map1}]} {
    %mul3A = arith.constant 2 : i32
    %mul3A_0 = arith.muli %arg1, %mul3A : i32
    %add3A = arith.addi %mul3A_0, %arg0 : i32
    %mul3A_1 = arith.constant 512 : i32
    %mul3A_2 = arith.muli %add3A, %mul3A_1 : i32
    %mul3A_3 = arith.constant 64 : i32
    %mul3A_4 = arith.muli %arg1, %mul3A_3 : i32
    "tpu.region"() ({
      %run_scoped3A_87 = tpu.sem_alloc : memref<!tpu.dma_semaphore, #tpu.memory_space<semaphore_mem>>
      %dma_start3A_88 = arith.constant 0 : i32
      %dma_start3A_89 = tpu.memref_slice %arg11[%mul3A_4, %dma_start3A_88] : memref<1024x128xf32, #tpu.memory_space<vmem_shared>> -> memref<64x128xf32, #tpu.memory_space<vmem_shared>>
      tpu.enqueue_dma source(%arg5 : memref<64x128xf32, #tpu.memory_space<hbm>>) target(%dma_start3A_89 : memref<64x128xf32, #tpu.memory_space<vmem_shared>>) target_semaphore(%run_scoped3A_87 : memref<!tpu.dma_semaphore, #tpu.memory_space<semaphore_mem>>)
      %dma_wait3A_90 = arith.constant 0 : i32
      %dma_wait3A_91 = tpu.memref_slice %arg11[%mul3A_4, %dma_wait3A_90] : memref<1024x128xf32, #tpu.memory_space<vmem_shared>> -> memref<64x128xf32, #tpu.memory_space<vmem_shared>>
      tpu.wait_dma2 semaphore(%run_scoped3A_87 : memref<!tpu.dma_semaphore, #tpu.memory_space<semaphore_mem>>) src(%arg5 : memref<64x128xf32, #tpu.memory_space<hbm>>) dst(%dma_wait3A_91 : memref<64x128xf32, #tpu.memory_space<vmem_shared>>)
      tpu.yield
    }) : () -> ()
    "tpu.region"() ({
      %run_scoped3A_87 = tpu.sem_alloc : memref<!tpu.dma_semaphore, #tpu.memory_space<semaphore_mem>>
      %dma_start3A_88 = arith.constant 0 : i32
      %dma_start3A_89 = tpu.memref_slice %arg12[%mul3A_4, %dma_start3A_88] : memref<1024x128xf32, #tpu.memory_space<vmem_shared>> -> memref<64x128xf32, #tpu.memory_space<vmem_shared>>
      tpu.enqueue_dma source(%arg5 : memref<64x128xf32, #tpu.memory_space<hbm>>) target(%dma_start3A_89 : memref<64x128xf32, #tpu.memory_space<vmem_shared>>) target_semaphore(%run_scoped3A_87 : memref<!tpu.dma_semaphore, #tpu.memory_space<semaphore_mem>>)
      %dma_wait3A_90 = arith.constant 0 : i32
      %dma_wait3A_91 = tpu.memref_slice %arg12[%mul3A_4, %dma_wait3A_90] : memref<1024x128xf32, #tpu.memory_space<vmem_shared>> -> memref<64x128xf32, #tpu.memory_space<vmem_shared>>
      tpu.wait_dma2 semaphore(%run_scoped3A_87 : memref<!tpu.dma_semaphore, #tpu.memory_space<semaphore_mem>>) src(%arg5 : memref<64x128xf32, #tpu.memory_space<hbm>>) dst(%dma_wait3A_91 : memref<64x128xf32, #tpu.memory_space<vmem_shared>>)
      tpu.yield
    }) : () -> ()
    "tpu.region"() ({
      %run_scoped3A_87 = tpu.sem_alloc : memref<!tpu.dma_semaphore, #tpu.memory_space<semaphore_mem>>
      %dma_start3A_88 = arith.constant 0 : i32
      %dma_start3A_89 = tpu.memref_slice %arg13[%mul3A_4, %dma_start3A_88] : memref<1024x16xf32, #tpu.memory_space<vmem_shared>> -> memref<64x16xf32, #tpu.memory_space<vmem_shared>>
      tpu.enqueue_dma source(%arg6 : memref<64x16xf32, #tpu.memory_space<hbm>>) target(%dma_start3A_89 : memref<64x16xf32, #tpu.memory_space<vmem_shared>>) target_semaphore(%run_scoped3A_87 : memref<!tpu.dma_semaphore, #tpu.memory_space<semaphore_mem>>)
      %dma_wait3A_90 = arith.constant 0 : i32
      %dma_wait3A_91 = tpu.memref_slice %arg13[%mul3A_4, %dma_wait3A_90] : memref<1024x16xf32, #tpu.memory_space<vmem_shared>> -> memref<64x16xf32, #tpu.memory_space<vmem_shared>>
      tpu.wait_dma2 semaphore(%run_scoped3A_87 : memref<!tpu.dma_semaphore, #tpu.memory_space<semaphore_mem>>) src(%arg6 : memref<64x16xf32, #tpu.memory_space<hbm>>) dst(%dma_wait3A_91 : memref<64x16xf32, #tpu.memory_space<vmem_shared>>)
      tpu.yield
    }) : () -> ()
    "tpu.region"() ({
      %run_scoped3A_87 = tpu.sem_alloc : memref<!tpu.dma_semaphore, #tpu.memory_space<semaphore_mem>>
      tpu.enqueue_dma source(%arg7 : memref<128x16xf32, #tpu.memory_space<hbm>>) target(%arg19 : memref<128x16xf32, #tpu.memory_space<vmem>>) target_semaphore(%run_scoped3A_87 : memref<!tpu.dma_semaphore, #tpu.memory_space<semaphore_mem>>)
      tpu.wait_dma2 semaphore(%run_scoped3A_87 : memref<!tpu.dma_semaphore, #tpu.memory_space<semaphore_mem>>) src(%arg7 : memref<128x16xf32, #tpu.memory_space<hbm>>) dst(%arg19 : memref<128x16xf32, #tpu.memory_space<vmem>>)
      tpu.yield
    }) : () -> ()
    %mul3A_5 = arith.constant 4 : i32
    %mul3A_6 = arith.muli %add3A, %mul3A_5 : i32
    "tpu.region"() ({
      %run_scoped3A_87 = tpu.sem_alloc : memref<!tpu.dma_semaphore, #tpu.memory_space<semaphore_mem>>
      %dma_start3A_88 = arith.constant 0 : i32
      %dma_start3A_89 = tpu.memref_slice %arg4[%mul3A_6, %dma_start3A_88] : memref<128x128xi32, #tpu.memory_space<hbm>> -> memref<4x128xi32, #tpu.memory_space<hbm>>
      %dma_start3A_90 = arith.constant 0 : i32
      %dma_start3A_91 = tpu.memref_slice %arg4[%mul3A_6, %dma_start3A_90] : memref<128x128xi32, #tpu.memory_space<hbm>> -> memref<4x128xi32, #tpu.memory_space<hbm>>
      tpu.enqueue_dma source(%dma_start3A_91 : memref<4x128xi32, #tpu.memory_space<hbm>>) target(%arg18 : memref<4x128xi32, #tpu.memory_space<vmem>>) target_semaphore(%run_scoped3A_87 : memref<!tpu.dma_semaphore, #tpu.memory_space<semaphore_mem>>)
      %dma_wait3A_92 = arith.constant 0 : i32
      %dma_wait3A_93 = tpu.memref_slice %arg4[%mul3A_6, %dma_wait3A_92] : memref<128x128xi32, #tpu.memory_space<hbm>> -> memref<4x128xi32, #tpu.memory_space<hbm>>
      %dma_wait3A_94 = arith.constant 0 : i32
      %dma_wait3A_95 = tpu.memref_slice %arg4[%mul3A_6, %dma_wait3A_94] : memref<128x128xi32, #tpu.memory_space<hbm>> -> memref<4x128xi32, #tpu.memory_space<hbm>>
      tpu.wait_dma2 semaphore(%run_scoped3A_87 : memref<!tpu.dma_semaphore, #tpu.memory_space<semaphore_mem>>) src(%dma_wait3A_95 : memref<4x128xi32, #tpu.memory_space<hbm>>) dst(%arg18 : memref<4x128xi32, #tpu.memory_space<vmem>>)
      tpu.yield
    }) : () -> ()
    %barrier3A = arith.constant 0 : index
    tpu.barrier barrier_id(%barrier3A)
    %dma_start3A = arith.constant 0 : i32
    %dma_start3A_7 = tpu.memref_slice %arg2[%mul3A_2, %dma_start3A] : memref<16384x128xf32, #tpu.memory_space<hbm>> -> memref<128x128xf32, #tpu.memory_space<hbm>>
    %dma_start3A_8 = arith.constant 0 : i32
    %dma_start3A_9 = tpu.memref_slice %arg2[%mul3A_2, %dma_start3A_8] : memref<16384x128xf32, #tpu.memory_space<hbm>> -> memref<128x128xf32, #tpu.memory_space<hbm>>
    tpu.enqueue_dma source(%dma_start3A_9 : memref<128x128xf32, #tpu.memory_space<hbm>>) target(%arg14 : memref<128x128xf32, #tpu.memory_space<vmem>>) target_semaphore(%arg20 : memref<!tpu.dma_semaphore, #tpu.memory_space<semaphore_mem>>)
    %dma_start3A_10 = arith.constant 0 : i32
    %dma_start3A_11 = tpu.memref_slice %arg3[%mul3A_2, %dma_start3A_10] : memref<16384x128xf32, #tpu.memory_space<hbm>> -> memref<128x128xf32, #tpu.memory_space<hbm>>
    %dma_start3A_12 = arith.constant 0 : i32
    %dma_start3A_13 = tpu.memref_slice %arg3[%mul3A_2, %dma_start3A_12] : memref<16384x128xf32, #tpu.memory_space<hbm>> -> memref<128x128xf32, #tpu.memory_space<hbm>>
    tpu.enqueue_dma source(%dma_start3A_13 : memref<128x128xf32, #tpu.memory_space<hbm>>) target(%arg16 : memref<128x128xf32, #tpu.memory_space<vmem>>) target_semaphore(%arg20 : memref<!tpu.dma_semaphore, #tpu.memory_space<semaphore_mem>>)
    %dma_wait3A = arith.constant 0 : i32
    %dma_wait3A_14 = tpu.memref_slice %arg2[%mul3A_2, %dma_wait3A] : memref<16384x128xf32, #tpu.memory_space<hbm>> -> memref<128x128xf32, #tpu.memory_space<hbm>>
    %dma_wait3A_15 = arith.constant 0 : i32
    %dma_wait3A_16 = tpu.memref_slice %arg2[%mul3A_2, %dma_wait3A_15] : memref<16384x128xf32, #tpu.memory_space<hbm>> -> memref<128x128xf32, #tpu.memory_space<hbm>>
    tpu.wait_dma2 semaphore(%arg20 : memref<!tpu.dma_semaphore, #tpu.memory_space<semaphore_mem>>) src(%dma_wait3A_16 : memref<128x128xf32, #tpu.memory_space<hbm>>) dst(%arg14 : memref<128x128xf32, #tpu.memory_space<vmem>>)
    %dma_wait3A_17 = arith.constant 0 : i32
    %dma_wait3A_18 = tpu.memref_slice %arg3[%mul3A_2, %dma_wait3A_17] : memref<16384x128xf32, #tpu.memory_space<hbm>> -> memref<128x128xf32, #tpu.memory_space<hbm>>
    %dma_wait3A_19 = arith.constant 0 : i32
    %dma_wait3A_20 = tpu.memref_slice %arg3[%mul3A_2, %dma_wait3A_19] : memref<16384x128xf32, #tpu.memory_space<hbm>> -> memref<128x128xf32, #tpu.memory_space<hbm>>
    tpu.wait_dma2 semaphore(%arg20 : memref<!tpu.dma_semaphore, #tpu.memory_space<semaphore_mem>>) src(%dma_wait3A_20 : memref<128x128xf32, #tpu.memory_space<hbm>>) dst(%arg16 : memref<128x128xf32, #tpu.memory_space<vmem>>)
    %add3A_21 = arith.constant 128 : i32
    %add3A_22 = arith.addi %mul3A_2, %add3A_21 : i32
    %dma_start3A_23 = arith.constant 0 : i32
    %dma_start3A_24 = tpu.memref_slice %arg2[%add3A_22, %dma_start3A_23] : memref<16384x128xf32, #tpu.memory_space<hbm>> -> memref<128x128xf32, #tpu.memory_space<hbm>>
    %dma_start3A_25 = arith.constant 0 : i32
    %dma_start3A_26 = tpu.memref_slice %arg2[%add3A_22, %dma_start3A_25] : memref<16384x128xf32, #tpu.memory_space<hbm>> -> memref<128x128xf32, #tpu.memory_space<hbm>>
    tpu.enqueue_dma source(%dma_start3A_26 : memref<128x128xf32, #tpu.memory_space<hbm>>) target(%arg15 : memref<128x128xf32, #tpu.memory_space<vmem>>) target_semaphore(%arg20 : memref<!tpu.dma_semaphore, #tpu.memory_space<semaphore_mem>>)
    %dma_start3A_27 = arith.constant 0 : i32
    %dma_start3A_28 = tpu.memref_slice %arg3[%add3A_22, %dma_start3A_27] : memref<16384x128xf32, #tpu.memory_space<hbm>> -> memref<128x128xf32, #tpu.memory_space<hbm>>
    %dma_start3A_29 = arith.constant 0 : i32
    %dma_start3A_30 = tpu.memref_slice %arg3[%add3A_22, %dma_start3A_29] : memref<16384x128xf32, #tpu.memory_space<hbm>> -> memref<128x128xf32, #tpu.memory_space<hbm>>
    tpu.enqueue_dma source(%dma_start3A_30 : memref<128x128xf32, #tpu.memory_space<hbm>>) target(%arg17 : memref<128x128xf32, #tpu.memory_space<vmem>>) target_semaphore(%arg20 : memref<!tpu.dma_semaphore, #tpu.memory_space<semaphore_mem>>)
    %run_scoped3A = arith.constant 0 : i32
    "tpu.region"() ({
      %run_scoped3A_87 = tpu.sem_alloc : memref<!tpu.dma_semaphore, #tpu.memory_space<semaphore_mem>>
      %dma_start3A_88 = arith.constant 0 : i32
      %dma_start3A_89 = tpu.memref_slice %arg18[%run_scoped3A, %dma_start3A_88] : memref<4x128xi32, #tpu.memory_space<vmem>> -> memref<1x128xi32, #tpu.memory_space<vmem>>
      %dma_start3A_90 = tpu.memref_squeeze %dma_start3A_89 : memref<1x128xi32, #tpu.memory_space<vmem>> -> memref<128xi32, #tpu.memory_space<vmem>>
      %dma_start3A_91 = arith.constant 0 : i32
      %dma_start3A_92 = arith.constant 0 : i32
      %dma_start3A_93 = tpu.memref_slice %arg11[%dma_start3A_91, %dma_start3A_92] : memref<1024x128xf32, #tpu.memory_space<vmem_shared>> -> memref<1024x128xf32, #tpu.memory_space<vmem_shared>>
      tpu.enqueue_indirect_dma source(%arg14 : memref<128x128xf32, #tpu.memory_space<vmem>>) target(%dma_start3A_93 : memref<1024x128xf32, #tpu.memory_space<vmem_shared>>) offsets(%dma_start3A_90 : memref<128xi32, #tpu.memory_space<vmem>>) semaphore(%run_scoped3A_87 : memref<!tpu.dma_semaphore, #tpu.memory_space<semaphore_mem>>) {add = true}
      %dma_wait3A_94 = arith.constant 0 : i32
      %dma_wait3A_95 = tpu.memref_slice %arg18[%run_scoped3A, %dma_wait3A_94] : memref<4x128xi32, #tpu.memory_space<vmem>> -> memref<1x128xi32, #tpu.memory_space<vmem>>
      %dma_wait3A_96 = tpu.memref_squeeze %dma_wait3A_95 : memref<1x128xi32, #tpu.memory_space<vmem>> -> memref<128xi32, #tpu.memory_space<vmem>>
      %dma_wait3A_97 = arith.constant 0 : i32
      %dma_wait3A_98 = arith.constant 0 : i32
      %dma_wait3A_99 = tpu.memref_slice %arg11[%dma_wait3A_97, %dma_wait3A_98] : memref<1024x128xf32, #tpu.memory_space<vmem_shared>> -> memref<1024x128xf32, #tpu.memory_space<vmem_shared>>
      tpu.wait_indirect_dma semaphore(%run_scoped3A_87 : memref<!tpu.dma_semaphore, #tpu.memory_space<semaphore_mem>>) src(%arg14 : memref<128x128xf32, #tpu.memory_space<vmem>>) dst(%dma_wait3A_99 : memref<1024x128xf32, #tpu.memory_space<vmem_shared>>)
      tpu.yield
    }) : () -> ()
    %run_scoped3A_31 = arith.constant 0 : i32
    "tpu.region"() ({
      %run_scoped3A_87 = tpu.sem_alloc : memref<!tpu.dma_semaphore, #tpu.memory_space<semaphore_mem>>
      %dma_start3A_88 = arith.constant 0 : i32
      %dma_start3A_89 = tpu.memref_slice %arg18[%run_scoped3A_31, %dma_start3A_88] : memref<4x128xi32, #tpu.memory_space<vmem>> -> memref<1x128xi32, #tpu.memory_space<vmem>>
      %dma_start3A_90 = tpu.memref_squeeze %dma_start3A_89 : memref<1x128xi32, #tpu.memory_space<vmem>> -> memref<128xi32, #tpu.memory_space<vmem>>
      %dma_start3A_91 = arith.constant 0 : i32
      %dma_start3A_92 = arith.constant 0 : i32
      %dma_start3A_93 = tpu.memref_slice %arg12[%dma_start3A_91, %dma_start3A_92] : memref<1024x128xf32, #tpu.memory_space<vmem_shared>> -> memref<1024x128xf32, #tpu.memory_space<vmem_shared>>
      tpu.enqueue_indirect_dma source(%arg16 : memref<128x128xf32, #tpu.memory_space<vmem>>) target(%dma_start3A_93 : memref<1024x128xf32, #tpu.memory_space<vmem_shared>>) offsets(%dma_start3A_90 : memref<128xi32, #tpu.memory_space<vmem>>) semaphore(%run_scoped3A_87 : memref<!tpu.dma_semaphore, #tpu.memory_space<semaphore_mem>>) {add = true}
      %dma_wait3A_94 = arith.constant 0 : i32
      %dma_wait3A_95 = tpu.memref_slice %arg18[%run_scoped3A_31, %dma_wait3A_94] : memref<4x128xi32, #tpu.memory_space<vmem>> -> memref<1x128xi32, #tpu.memory_space<vmem>>
      %dma_wait3A_96 = tpu.memref_squeeze %dma_wait3A_95 : memref<1x128xi32, #tpu.memory_space<vmem>> -> memref<128xi32, #tpu.memory_space<vmem>>
      %dma_wait3A_97 = arith.constant 0 : i32
      %dma_wait3A_98 = arith.constant 0 : i32
      %dma_wait3A_99 = tpu.memref_slice %arg12[%dma_wait3A_97, %dma_wait3A_98] : memref<1024x128xf32, #tpu.memory_space<vmem_shared>> -> memref<1024x128xf32, #tpu.memory_space<vmem_shared>>
      tpu.wait_indirect_dma semaphore(%run_scoped3A_87 : memref<!tpu.dma_semaphore, #tpu.memory_space<semaphore_mem>>) src(%arg16 : memref<128x128xf32, #tpu.memory_space<vmem>>) dst(%dma_wait3A_99 : memref<1024x128xf32, #tpu.memory_space<vmem_shared>>)
      tpu.yield
    }) : () -> ()
    %run_scoped3A_32 = arith.constant 0 : i32
    "tpu.region"() ({
      %run_scoped3A_87 = tpu.sem_alloc : memref<!tpu.dma_semaphore, #tpu.memory_space<semaphore_mem>>
      %dma_start3A_88 = arith.constant 0 : i32
      %dma_start3A_89 = tpu.memref_slice %arg18[%run_scoped3A_32, %dma_start3A_88] : memref<4x128xi32, #tpu.memory_space<vmem>> -> memref<1x128xi32, #tpu.memory_space<vmem>>
      %dma_start3A_90 = tpu.memref_squeeze %dma_start3A_89 : memref<1x128xi32, #tpu.memory_space<vmem>> -> memref<128xi32, #tpu.memory_space<vmem>>
      %dma_start3A_91 = arith.constant 0 : i32
      %dma_start3A_92 = arith.constant 0 : i32
      %dma_start3A_93 = tpu.memref_slice %arg13[%dma_start3A_91, %dma_start3A_92] : memref<1024x16xf32, #tpu.memory_space<vmem_shared>> -> memref<1024x16xf32, #tpu.memory_space<vmem_shared>>
      tpu.enqueue_indirect_dma source(%arg19 : memref<128x16xf32, #tpu.memory_space<vmem>>) target(%dma_start3A_93 : memref<1024x16xf32, #tpu.memory_space<vmem_shared>>) offsets(%dma_start3A_90 : memref<128xi32, #tpu.memory_space<vmem>>) semaphore(%run_scoped3A_87 : memref<!tpu.dma_semaphore, #tpu.memory_space<semaphore_mem>>) {add = true}
      %dma_wait3A_94 = arith.constant 0 : i32
      %dma_wait3A_95 = tpu.memref_slice %arg18[%run_scoped3A_32, %dma_wait3A_94] : memref<4x128xi32, #tpu.memory_space<vmem>> -> memref<1x128xi32, #tpu.memory_space<vmem>>
      %dma_wait3A_96 = tpu.memref_squeeze %dma_wait3A_95 : memref<1x128xi32, #tpu.memory_space<vmem>> -> memref<128xi32, #tpu.memory_space<vmem>>
      %dma_wait3A_97 = arith.constant 0 : i32
      %dma_wait3A_98 = arith.constant 0 : i32
      %dma_wait3A_99 = tpu.memref_slice %arg13[%dma_wait3A_97, %dma_wait3A_98] : memref<1024x16xf32, #tpu.memory_space<vmem_shared>> -> memref<1024x16xf32, #tpu.memory_space<vmem_shared>>
      tpu.wait_indirect_dma semaphore(%run_scoped3A_87 : memref<!tpu.dma_semaphore, #tpu.memory_space<semaphore_mem>>) src(%arg19 : memref<128x16xf32, #tpu.memory_space<vmem>>) dst(%dma_wait3A_99 : memref<1024x16xf32, #tpu.memory_space<vmem_shared>>)
      tpu.yield
    }) : () -> ()
    %dma_wait3A_33 = arith.constant 0 : i32
    %dma_wait3A_34 = tpu.memref_slice %arg2[%add3A_22, %dma_wait3A_33] : memref<16384x128xf32, #tpu.memory_space<hbm>> -> memref<128x128xf32, #tpu.memory_space<hbm>>
    %dma_wait3A_35 = arith.constant 0 : i32
    %dma_wait3A_36 = tpu.memref_slice %arg2[%add3A_22, %dma_wait3A_35] : memref<16384x128xf32, #tpu.memory_space<hbm>> -> memref<128x128xf32, #tpu.memory_space<hbm>>
    tpu.wait_dma2 semaphore(%arg20 : memref<!tpu.dma_semaphore, #tpu.memory_space<semaphore_mem>>) src(%dma_wait3A_36 : memref<128x128xf32, #tpu.memory_space<hbm>>) dst(%arg15 : memref<128x128xf32, #tpu.memory_space<vmem>>)
    %dma_wait3A_37 = arith.constant 0 : i32
    %dma_wait3A_38 = tpu.memref_slice %arg3[%add3A_22, %dma_wait3A_37] : memref<16384x128xf32, #tpu.memory_space<hbm>> -> memref<128x128xf32, #tpu.memory_space<hbm>>
    %dma_wait3A_39 = arith.constant 0 : i32
    %dma_wait3A_40 = tpu.memref_slice %arg3[%add3A_22, %dma_wait3A_39] : memref<16384x128xf32, #tpu.memory_space<hbm>> -> memref<128x128xf32, #tpu.memory_space<hbm>>
    tpu.wait_dma2 semaphore(%arg20 : memref<!tpu.dma_semaphore, #tpu.memory_space<semaphore_mem>>) src(%dma_wait3A_40 : memref<128x128xf32, #tpu.memory_space<hbm>>) dst(%arg17 : memref<128x128xf32, #tpu.memory_space<vmem>>)
    %add3A_41 = arith.constant 256 : i32
    %add3A_42 = arith.addi %mul3A_2, %add3A_41 : i32
    %dma_start3A_43 = arith.constant 0 : i32
    %dma_start3A_44 = tpu.memref_slice %arg2[%add3A_42, %dma_start3A_43] : memref<16384x128xf32, #tpu.memory_space<hbm>> -> memref<128x128xf32, #tpu.memory_space<hbm>>
    %dma_start3A_45 = arith.constant 0 : i32
    %dma_start3A_46 = tpu.memref_slice %arg2[%add3A_42, %dma_start3A_45] : memref<16384x128xf32, #tpu.memory_space<hbm>> -> memref<128x128xf32, #tpu.memory_space<hbm>>
    tpu.enqueue_dma source(%dma_start3A_46 : memref<128x128xf32, #tpu.memory_space<hbm>>) target(%arg14 : memref<128x128xf32, #tpu.memory_space<vmem>>) target_semaphore(%arg20 : memref<!tpu.dma_semaphore, #tpu.memory_space<semaphore_mem>>)
    %dma_start3A_47 = arith.constant 0 : i32
    %dma_start3A_48 = tpu.memref_slice %arg3[%add3A_42, %dma_start3A_47] : memref<16384x128xf32, #tpu.memory_space<hbm>> -> memref<128x128xf32, #tpu.memory_space<hbm>>
    %dma_start3A_49 = arith.constant 0 : i32
    %dma_start3A_50 = tpu.memref_slice %arg3[%add3A_42, %dma_start3A_49] : memref<16384x128xf32, #tpu.memory_space<hbm>> -> memref<128x128xf32, #tpu.memory_space<hbm>>
    tpu.enqueue_dma source(%dma_start3A_50 : memref<128x128xf32, #tpu.memory_space<hbm>>) target(%arg16 : memref<128x128xf32, #tpu.memory_space<vmem>>) target_semaphore(%arg20 : memref<!tpu.dma_semaphore, #tpu.memory_space<semaphore_mem>>)
    %run_scoped3A_51 = arith.constant 1 : i32
    "tpu.region"() ({
      %run_scoped3A_87 = tpu.sem_alloc : memref<!tpu.dma_semaphore, #tpu.memory_space<semaphore_mem>>
      %dma_start3A_88 = arith.constant 0 : i32
      %dma_start3A_89 = tpu.memref_slice %arg18[%run_scoped3A_51, %dma_start3A_88] : memref<4x128xi32, #tpu.memory_space<vmem>> -> memref<1x128xi32, #tpu.memory_space<vmem>>
      %dma_start3A_90 = tpu.memref_squeeze %dma_start3A_89 : memref<1x128xi32, #tpu.memory_space<vmem>> -> memref<128xi32, #tpu.memory_space<vmem>>
      %dma_start3A_91 = arith.constant 0 : i32
      %dma_start3A_92 = arith.constant 0 : i32
      %dma_start3A_93 = tpu.memref_slice %arg11[%dma_start3A_91, %dma_start3A_92] : memref<1024x128xf32, #tpu.memory_space<vmem_shared>> -> memref<1024x128xf32, #tpu.memory_space<vmem_shared>>
      tpu.enqueue_indirect_dma source(%arg15 : memref<128x128xf32, #tpu.memory_space<vmem>>) target(%dma_start3A_93 : memref<1024x128xf32, #tpu.memory_space<vmem_shared>>) offsets(%dma_start3A_90 : memref<128xi32, #tpu.memory_space<vmem>>) semaphore(%run_scoped3A_87 : memref<!tpu.dma_semaphore, #tpu.memory_space<semaphore_mem>>) {add = true}
      %dma_wait3A_94 = arith.constant 0 : i32
      %dma_wait3A_95 = tpu.memref_slice %arg18[%run_scoped3A_51, %dma_wait3A_94] : memref<4x128xi32, #tpu.memory_space<vmem>> -> memref<1x128xi32, #tpu.memory_space<vmem>>
      %dma_wait3A_96 = tpu.memref_squeeze %dma_wait3A_95 : memref<1x128xi32, #tpu.memory_space<vmem>> -> memref<128xi32, #tpu.memory_space<vmem>>
      %dma_wait3A_97 = arith.constant 0 : i32
      %dma_wait3A_98 = arith.constant 0 : i32
      %dma_wait3A_99 = tpu.memref_slice %arg11[%dma_wait3A_97, %dma_wait3A_98] : memref<1024x128xf32, #tpu.memory_space<vmem_shared>> -> memref<1024x128xf32, #tpu.memory_space<vmem_shared>>
      tpu.wait_indirect_dma semaphore(%run_scoped3A_87 : memref<!tpu.dma_semaphore, #tpu.memory_space<semaphore_mem>>) src(%arg15 : memref<128x128xf32, #tpu.memory_space<vmem>>) dst(%dma_wait3A_99 : memref<1024x128xf32, #tpu.memory_space<vmem_shared>>)
      tpu.yield
    }) : () -> ()
    %run_scoped3A_52 = arith.constant 1 : i32
    "tpu.region"() ({
      %run_scoped3A_87 = tpu.sem_alloc : memref<!tpu.dma_semaphore, #tpu.memory_space<semaphore_mem>>
      %dma_start3A_88 = arith.constant 0 : i32
      %dma_start3A_89 = tpu.memref_slice %arg18[%run_scoped3A_52, %dma_start3A_88] : memref<4x128xi32, #tpu.memory_space<vmem>> -> memref<1x128xi32, #tpu.memory_space<vmem>>
      %dma_start3A_90 = tpu.memref_squeeze %dma_start3A_89 : memref<1x128xi32, #tpu.memory_space<vmem>> -> memref<128xi32, #tpu.memory_space<vmem>>
      %dma_start3A_91 = arith.constant 0 : i32
      %dma_start3A_92 = arith.constant 0 : i32
      %dma_start3A_93 = tpu.memref_slice %arg12[%dma_start3A_91, %dma_start3A_92] : memref<1024x128xf32, #tpu.memory_space<vmem_shared>> -> memref<1024x128xf32, #tpu.memory_space<vmem_shared>>
      tpu.enqueue_indirect_dma source(%arg17 : memref<128x128xf32, #tpu.memory_space<vmem>>) target(%dma_start3A_93 : memref<1024x128xf32, #tpu.memory_space<vmem_shared>>) offsets(%dma_start3A_90 : memref<128xi32, #tpu.memory_space<vmem>>) semaphore(%run_scoped3A_87 : memref<!tpu.dma_semaphore, #tpu.memory_space<semaphore_mem>>) {add = true}
      %dma_wait3A_94 = arith.constant 0 : i32
      %dma_wait3A_95 = tpu.memref_slice %arg18[%run_scoped3A_52, %dma_wait3A_94] : memref<4x128xi32, #tpu.memory_space<vmem>> -> memref<1x128xi32, #tpu.memory_space<vmem>>
      %dma_wait3A_96 = tpu.memref_squeeze %dma_wait3A_95 : memref<1x128xi32, #tpu.memory_space<vmem>> -> memref<128xi32, #tpu.memory_space<vmem>>
      %dma_wait3A_97 = arith.constant 0 : i32
      %dma_wait3A_98 = arith.constant 0 : i32
      %dma_wait3A_99 = tpu.memref_slice %arg12[%dma_wait3A_97, %dma_wait3A_98] : memref<1024x128xf32, #tpu.memory_space<vmem_shared>> -> memref<1024x128xf32, #tpu.memory_space<vmem_shared>>
      tpu.wait_indirect_dma semaphore(%run_scoped3A_87 : memref<!tpu.dma_semaphore, #tpu.memory_space<semaphore_mem>>) src(%arg17 : memref<128x128xf32, #tpu.memory_space<vmem>>) dst(%dma_wait3A_99 : memref<1024x128xf32, #tpu.memory_space<vmem_shared>>)
      tpu.yield
    }) : () -> ()
    %run_scoped3A_53 = arith.constant 1 : i32
    "tpu.region"() ({
      %run_scoped3A_87 = tpu.sem_alloc : memref<!tpu.dma_semaphore, #tpu.memory_space<semaphore_mem>>
      %dma_start3A_88 = arith.constant 0 : i32
      %dma_start3A_89 = tpu.memref_slice %arg18[%run_scoped3A_53, %dma_start3A_88] : memref<4x128xi32, #tpu.memory_space<vmem>> -> memref<1x128xi32, #tpu.memory_space<vmem>>
      %dma_start3A_90 = tpu.memref_squeeze %dma_start3A_89 : memref<1x128xi32, #tpu.memory_space<vmem>> -> memref<128xi32, #tpu.memory_space<vmem>>
      %dma_start3A_91 = arith.constant 0 : i32
      %dma_start3A_92 = arith.constant 0 : i32
      %dma_start3A_93 = tpu.memref_slice %arg13[%dma_start3A_91, %dma_start3A_92] : memref<1024x16xf32, #tpu.memory_space<vmem_shared>> -> memref<1024x16xf32, #tpu.memory_space<vmem_shared>>
      tpu.enqueue_indirect_dma source(%arg19 : memref<128x16xf32, #tpu.memory_space<vmem>>) target(%dma_start3A_93 : memref<1024x16xf32, #tpu.memory_space<vmem_shared>>) offsets(%dma_start3A_90 : memref<128xi32, #tpu.memory_space<vmem>>) semaphore(%run_scoped3A_87 : memref<!tpu.dma_semaphore, #tpu.memory_space<semaphore_mem>>) {add = true}
      %dma_wait3A_94 = arith.constant 0 : i32
      %dma_wait3A_95 = tpu.memref_slice %arg18[%run_scoped3A_53, %dma_wait3A_94] : memref<4x128xi32, #tpu.memory_space<vmem>> -> memref<1x128xi32, #tpu.memory_space<vmem>>
      %dma_wait3A_96 = tpu.memref_squeeze %dma_wait3A_95 : memref<1x128xi32, #tpu.memory_space<vmem>> -> memref<128xi32, #tpu.memory_space<vmem>>
      %dma_wait3A_97 = arith.constant 0 : i32
      %dma_wait3A_98 = arith.constant 0 : i32
      %dma_wait3A_99 = tpu.memref_slice %arg13[%dma_wait3A_97, %dma_wait3A_98] : memref<1024x16xf32, #tpu.memory_space<vmem_shared>> -> memref<1024x16xf32, #tpu.memory_space<vmem_shared>>
      tpu.wait_indirect_dma semaphore(%run_scoped3A_87 : memref<!tpu.dma_semaphore, #tpu.memory_space<semaphore_mem>>) src(%arg19 : memref<128x16xf32, #tpu.memory_space<vmem>>) dst(%dma_wait3A_99 : memref<1024x16xf32, #tpu.memory_space<vmem_shared>>)
      tpu.yield
    }) : () -> ()
    %dma_wait3A_54 = arith.constant 0 : i32
    %dma_wait3A_55 = tpu.memref_slice %arg2[%add3A_42, %dma_wait3A_54] : memref<16384x128xf32, #tpu.memory_space<hbm>> -> memref<128x128xf32, #tpu.memory_space<hbm>>
    %dma_wait3A_56 = arith.constant 0 : i32
    %dma_wait3A_57 = tpu.memref_slice %arg2[%add3A_42, %dma_wait3A_56] : memref<16384x128xf32, #tpu.memory_space<hbm>> -> memref<128x128xf32, #tpu.memory_space<hbm>>
    tpu.wait_dma2 semaphore(%arg20 : memref<!tpu.dma_semaphore, #tpu.memory_space<semaphore_mem>>) src(%dma_wait3A_57 : memref<128x128xf32, #tpu.memory_space<hbm>>) dst(%arg14 : memref<128x128xf32, #tpu.memory_space<vmem>>)
    %dma_wait3A_58 = arith.constant 0 : i32
    %dma_wait3A_59 = tpu.memref_slice %arg3[%add3A_42, %dma_wait3A_58] : memref<16384x128xf32, #tpu.memory_space<hbm>> -> memref<128x128xf32, #tpu.memory_space<hbm>>
    %dma_wait3A_60 = arith.constant 0 : i32
    %dma_wait3A_61 = tpu.memref_slice %arg3[%add3A_42, %dma_wait3A_60] : memref<16384x128xf32, #tpu.memory_space<hbm>> -> memref<128x128xf32, #tpu.memory_space<hbm>>
    tpu.wait_dma2 semaphore(%arg20 : memref<!tpu.dma_semaphore, #tpu.memory_space<semaphore_mem>>) src(%dma_wait3A_61 : memref<128x128xf32, #tpu.memory_space<hbm>>) dst(%arg16 : memref<128x128xf32, #tpu.memory_space<vmem>>)
    %add3A_62 = arith.constant 384 : i32
    %add3A_63 = arith.addi %mul3A_2, %add3A_62 : i32
    %dma_start3A_64 = arith.constant 0 : i32
    %dma_start3A_65 = tpu.memref_slice %arg2[%add3A_63, %dma_start3A_64] : memref<16384x128xf32, #tpu.memory_space<hbm>> -> memref<128x128xf32, #tpu.memory_space<hbm>>
    %dma_start3A_66 = arith.constant 0 : i32
    %dma_start3A_67 = tpu.memref_slice %arg2[%add3A_63, %dma_start3A_66] : memref<16384x128xf32, #tpu.memory_space<hbm>> -> memref<128x128xf32, #tpu.memory_space<hbm>>
    tpu.enqueue_dma source(%dma_start3A_67 : memref<128x128xf32, #tpu.memory_space<hbm>>) target(%arg15 : memref<128x128xf32, #tpu.memory_space<vmem>>) target_semaphore(%arg20 : memref<!tpu.dma_semaphore, #tpu.memory_space<semaphore_mem>>)
    %dma_start3A_68 = arith.constant 0 : i32
    %dma_start3A_69 = tpu.memref_slice %arg3[%add3A_63, %dma_start3A_68] : memref<16384x128xf32, #tpu.memory_space<hbm>> -> memref<128x128xf32, #tpu.memory_space<hbm>>
    %dma_start3A_70 = arith.constant 0 : i32
    %dma_start3A_71 = tpu.memref_slice %arg3[%add3A_63, %dma_start3A_70] : memref<16384x128xf32, #tpu.memory_space<hbm>> -> memref<128x128xf32, #tpu.memory_space<hbm>>
    tpu.enqueue_dma source(%dma_start3A_71 : memref<128x128xf32, #tpu.memory_space<hbm>>) target(%arg17 : memref<128x128xf32, #tpu.memory_space<vmem>>) target_semaphore(%arg20 : memref<!tpu.dma_semaphore, #tpu.memory_space<semaphore_mem>>)
    %run_scoped3A_72 = arith.constant 2 : i32
    "tpu.region"() ({
      %run_scoped3A_87 = tpu.sem_alloc : memref<!tpu.dma_semaphore, #tpu.memory_space<semaphore_mem>>
      %dma_start3A_88 = arith.constant 0 : i32
      %dma_start3A_89 = tpu.memref_slice %arg18[%run_scoped3A_72, %dma_start3A_88] : memref<4x128xi32, #tpu.memory_space<vmem>> -> memref<1x128xi32, #tpu.memory_space<vmem>>
      %dma_start3A_90 = tpu.memref_squeeze %dma_start3A_89 : memref<1x128xi32, #tpu.memory_space<vmem>> -> memref<128xi32, #tpu.memory_space<vmem>>
      %dma_start3A_91 = arith.constant 0 : i32
      %dma_start3A_92 = arith.constant 0 : i32
      %dma_start3A_93 = tpu.memref_slice %arg11[%dma_start3A_91, %dma_start3A_92] : memref<1024x128xf32, #tpu.memory_space<vmem_shared>> -> memref<1024x128xf32, #tpu.memory_space<vmem_shared>>
      tpu.enqueue_indirect_dma source(%arg14 : memref<128x128xf32, #tpu.memory_space<vmem>>) target(%dma_start3A_93 : memref<1024x128xf32, #tpu.memory_space<vmem_shared>>) offsets(%dma_start3A_90 : memref<128xi32, #tpu.memory_space<vmem>>) semaphore(%run_scoped3A_87 : memref<!tpu.dma_semaphore, #tpu.memory_space<semaphore_mem>>) {add = true}
      %dma_wait3A_94 = arith.constant 0 : i32
      %dma_wait3A_95 = tpu.memref_slice %arg18[%run_scoped3A_72, %dma_wait3A_94] : memref<4x128xi32, #tpu.memory_space<vmem>> -> memref<1x128xi32, #tpu.memory_space<vmem>>
      %dma_wait3A_96 = tpu.memref_squeeze %dma_wait3A_95 : memref<1x128xi32, #tpu.memory_space<vmem>> -> memref<128xi32, #tpu.memory_space<vmem>>
      %dma_wait3A_97 = arith.constant 0 : i32
      %dma_wait3A_98 = arith.constant 0 : i32
      %dma_wait3A_99 = tpu.memref_slice %arg11[%dma_wait3A_97, %dma_wait3A_98] : memref<1024x128xf32, #tpu.memory_space<vmem_shared>> -> memref<1024x128xf32, #tpu.memory_space<vmem_shared>>
      tpu.wait_indirect_dma semaphore(%run_scoped3A_87 : memref<!tpu.dma_semaphore, #tpu.memory_space<semaphore_mem>>) src(%arg14 : memref<128x128xf32, #tpu.memory_space<vmem>>) dst(%dma_wait3A_99 : memref<1024x128xf32, #tpu.memory_space<vmem_shared>>)
      tpu.yield
    }) : () -> ()
    %run_scoped3A_73 = arith.constant 2 : i32
    "tpu.region"() ({
      %run_scoped3A_87 = tpu.sem_alloc : memref<!tpu.dma_semaphore, #tpu.memory_space<semaphore_mem>>
      %dma_start3A_88 = arith.constant 0 : i32
      %dma_start3A_89 = tpu.memref_slice %arg18[%run_scoped3A_73, %dma_start3A_88] : memref<4x128xi32, #tpu.memory_space<vmem>> -> memref<1x128xi32, #tpu.memory_space<vmem>>
      %dma_start3A_90 = tpu.memref_squeeze %dma_start3A_89 : memref<1x128xi32, #tpu.memory_space<vmem>> -> memref<128xi32, #tpu.memory_space<vmem>>
      %dma_start3A_91 = arith.constant 0 : i32
      %dma_start3A_92 = arith.constant 0 : i32
      %dma_start3A_93 = tpu.memref_slice %arg12[%dma_start3A_91, %dma_start3A_92] : memref<1024x128xf32, #tpu.memory_space<vmem_shared>> -> memref<1024x128xf32, #tpu.memory_space<vmem_shared>>
      tpu.enqueue_indirect_dma source(%arg16 : memref<128x128xf32, #tpu.memory_space<vmem>>) target(%dma_start3A_93 : memref<1024x128xf32, #tpu.memory_space<vmem_shared>>) offsets(%dma_start3A_90 : memref<128xi32, #tpu.memory_space<vmem>>) semaphore(%run_scoped3A_87 : memref<!tpu.dma_semaphore, #tpu.memory_space<semaphore_mem>>) {add = true}
      %dma_wait3A_94 = arith.constant 0 : i32
      %dma_wait3A_95 = tpu.memref_slice %arg18[%run_scoped3A_73, %dma_wait3A_94] : memref<4x128xi32, #tpu.memory_space<vmem>> -> memref<1x128xi32, #tpu.memory_space<vmem>>
      %dma_wait3A_96 = tpu.memref_squeeze %dma_wait3A_95 : memref<1x128xi32, #tpu.memory_space<vmem>> -> memref<128xi32, #tpu.memory_space<vmem>>
      %dma_wait3A_97 = arith.constant 0 : i32
      %dma_wait3A_98 = arith.constant 0 : i32
      %dma_wait3A_99 = tpu.memref_slice %arg12[%dma_wait3A_97, %dma_wait3A_98] : memref<1024x128xf32, #tpu.memory_space<vmem_shared>> -> memref<1024x128xf32, #tpu.memory_space<vmem_shared>>
      tpu.wait_indirect_dma semaphore(%run_scoped3A_87 : memref<!tpu.dma_semaphore, #tpu.memory_space<semaphore_mem>>) src(%arg16 : memref<128x128xf32, #tpu.memory_space<vmem>>) dst(%dma_wait3A_99 : memref<1024x128xf32, #tpu.memory_space<vmem_shared>>)
      tpu.yield
    }) : () -> ()
    %run_scoped3A_74 = arith.constant 2 : i32
    "tpu.region"() ({
      %run_scoped3A_87 = tpu.sem_alloc : memref<!tpu.dma_semaphore, #tpu.memory_space<semaphore_mem>>
      %dma_start3A_88 = arith.constant 0 : i32
      %dma_start3A_89 = tpu.memref_slice %arg18[%run_scoped3A_74, %dma_start3A_88] : memref<4x128xi32, #tpu.memory_space<vmem>> -> memref<1x128xi32, #tpu.memory_space<vmem>>
      %dma_start3A_90 = tpu.memref_squeeze %dma_start3A_89 : memref<1x128xi32, #tpu.memory_space<vmem>> -> memref<128xi32, #tpu.memory_space<vmem>>
      %dma_start3A_91 = arith.constant 0 : i32
      %dma_start3A_92 = arith.constant 0 : i32
      %dma_start3A_93 = tpu.memref_slice %arg13[%dma_start3A_91, %dma_start3A_92] : memref<1024x16xf32, #tpu.memory_space<vmem_shared>> -> memref<1024x16xf32, #tpu.memory_space<vmem_shared>>
      tpu.enqueue_indirect_dma source(%arg19 : memref<128x16xf32, #tpu.memory_space<vmem>>) target(%dma_start3A_93 : memref<1024x16xf32, #tpu.memory_space<vmem_shared>>) offsets(%dma_start3A_90 : memref<128xi32, #tpu.memory_space<vmem>>) semaphore(%run_scoped3A_87 : memref<!tpu.dma_semaphore, #tpu.memory_space<semaphore_mem>>) {add = true}
      %dma_wait3A_94 = arith.constant 0 : i32
      %dma_wait3A_95 = tpu.memref_slice %arg18[%run_scoped3A_74, %dma_wait3A_94] : memref<4x128xi32, #tpu.memory_space<vmem>> -> memref<1x128xi32, #tpu.memory_space<vmem>>
      %dma_wait3A_96 = tpu.memref_squeeze %dma_wait3A_95 : memref<1x128xi32, #tpu.memory_space<vmem>> -> memref<128xi32, #tpu.memory_space<vmem>>
      %dma_wait3A_97 = arith.constant 0 : i32
      %dma_wait3A_98 = arith.constant 0 : i32
      %dma_wait3A_99 = tpu.memref_slice %arg13[%dma_wait3A_97, %dma_wait3A_98] : memref<1024x16xf32, #tpu.memory_space<vmem_shared>> -> memref<1024x16xf32, #tpu.memory_space<vmem_shared>>
      tpu.wait_indirect_dma semaphore(%run_scoped3A_87 : memref<!tpu.dma_semaphore, #tpu.memory_space<semaphore_mem>>) src(%arg19 : memref<128x16xf32, #tpu.memory_space<vmem>>) dst(%dma_wait3A_99 : memref<1024x16xf32, #tpu.memory_space<vmem_shared>>)
      tpu.yield
    }) : () -> ()
    %dma_wait3A_75 = arith.constant 0 : i32
    %dma_wait3A_76 = tpu.memref_slice %arg2[%add3A_63, %dma_wait3A_75] : memref<16384x128xf32, #tpu.memory_space<hbm>> -> memref<128x128xf32, #tpu.memory_space<hbm>>
    %dma_wait3A_77 = arith.constant 0 : i32
    %dma_wait3A_78 = tpu.memref_slice %arg2[%add3A_63, %dma_wait3A_77] : memref<16384x128xf32, #tpu.memory_space<hbm>> -> memref<128x128xf32, #tpu.memory_space<hbm>>
    tpu.wait_dma2 semaphore(%arg20 : memref<!tpu.dma_semaphore, #tpu.memory_space<semaphore_mem>>) src(%dma_wait3A_78 : memref<128x128xf32, #tpu.memory_space<hbm>>) dst(%arg15 : memref<128x128xf32, #tpu.memory_space<vmem>>)
    %dma_wait3A_79 = arith.constant 0 : i32
    %dma_wait3A_80 = tpu.memref_slice %arg3[%add3A_63, %dma_wait3A_79] : memref<16384x128xf32, #tpu.memory_space<hbm>> -> memref<128x128xf32, #tpu.memory_space<hbm>>
    %dma_wait3A_81 = arith.constant 0 : i32
    %dma_wait3A_82 = tpu.memref_slice %arg3[%add3A_63, %dma_wait3A_81] : memref<16384x128xf32, #tpu.memory_space<hbm>> -> memref<128x128xf32, #tpu.memory_space<hbm>>
    tpu.wait_dma2 semaphore(%arg20 : memref<!tpu.dma_semaphore, #tpu.memory_space<semaphore_mem>>) src(%dma_wait3A_82 : memref<128x128xf32, #tpu.memory_space<hbm>>) dst(%arg17 : memref<128x128xf32, #tpu.memory_space<vmem>>)
    %run_scoped3A_83 = arith.constant 3 : i32
    "tpu.region"() ({
      %run_scoped3A_87 = tpu.sem_alloc : memref<!tpu.dma_semaphore, #tpu.memory_space<semaphore_mem>>
      %dma_start3A_88 = arith.constant 0 : i32
      %dma_start3A_89 = tpu.memref_slice %arg18[%run_scoped3A_83, %dma_start3A_88] : memref<4x128xi32, #tpu.memory_space<vmem>> -> memref<1x128xi32, #tpu.memory_space<vmem>>
      %dma_start3A_90 = tpu.memref_squeeze %dma_start3A_89 : memref<1x128xi32, #tpu.memory_space<vmem>> -> memref<128xi32, #tpu.memory_space<vmem>>
      %dma_start3A_91 = arith.constant 0 : i32
      %dma_start3A_92 = arith.constant 0 : i32
      %dma_start3A_93 = tpu.memref_slice %arg11[%dma_start3A_91, %dma_start3A_92] : memref<1024x128xf32, #tpu.memory_space<vmem_shared>> -> memref<1024x128xf32, #tpu.memory_space<vmem_shared>>
      tpu.enqueue_indirect_dma source(%arg15 : memref<128x128xf32, #tpu.memory_space<vmem>>) target(%dma_start3A_93 : memref<1024x128xf32, #tpu.memory_space<vmem_shared>>) offsets(%dma_start3A_90 : memref<128xi32, #tpu.memory_space<vmem>>) semaphore(%run_scoped3A_87 : memref<!tpu.dma_semaphore, #tpu.memory_space<semaphore_mem>>) {add = true}
      %dma_wait3A_94 = arith.constant 0 : i32
      %dma_wait3A_95 = tpu.memref_slice %arg18[%run_scoped3A_83, %dma_wait3A_94] : memref<4x128xi32, #tpu.memory_space<vmem>> -> memref<1x128xi32, #tpu.memory_space<vmem>>
      %dma_wait3A_96 = tpu.memref_squeeze %dma_wait3A_95 : memref<1x128xi32, #tpu.memory_space<vmem>> -> memref<128xi32, #tpu.memory_space<vmem>>
      %dma_wait3A_97 = arith.constant 0 : i32
      %dma_wait3A_98 = arith.constant 0 : i32
      %dma_wait3A_99 = tpu.memref_slice %arg11[%dma_wait3A_97, %dma_wait3A_98] : memref<1024x128xf32, #tpu.memory_space<vmem_shared>> -> memref<1024x128xf32, #tpu.memory_space<vmem_shared>>
      tpu.wait_indirect_dma semaphore(%run_scoped3A_87 : memref<!tpu.dma_semaphore, #tpu.memory_space<semaphore_mem>>) src(%arg15 : memref<128x128xf32, #tpu.memory_space<vmem>>) dst(%dma_wait3A_99 : memref<1024x128xf32, #tpu.memory_space<vmem_shared>>)
      tpu.yield
    }) : () -> ()
    %run_scoped3A_84 = arith.constant 3 : i32
    "tpu.region"() ({
      %run_scoped3A_87 = tpu.sem_alloc : memref<!tpu.dma_semaphore, #tpu.memory_space<semaphore_mem>>
      %dma_start3A_88 = arith.constant 0 : i32
      %dma_start3A_89 = tpu.memref_slice %arg18[%run_scoped3A_84, %dma_start3A_88] : memref<4x128xi32, #tpu.memory_space<vmem>> -> memref<1x128xi32, #tpu.memory_space<vmem>>
      %dma_start3A_90 = tpu.memref_squeeze %dma_start3A_89 : memref<1x128xi32, #tpu.memory_space<vmem>> -> memref<128xi32, #tpu.memory_space<vmem>>
      %dma_start3A_91 = arith.constant 0 : i32
      %dma_start3A_92 = arith.constant 0 : i32
      %dma_start3A_93 = tpu.memref_slice %arg12[%dma_start3A_91, %dma_start3A_92] : memref<1024x128xf32, #tpu.memory_space<vmem_shared>> -> memref<1024x128xf32, #tpu.memory_space<vmem_shared>>
      tpu.enqueue_indirect_dma source(%arg17 : memref<128x128xf32, #tpu.memory_space<vmem>>) target(%dma_start3A_93 : memref<1024x128xf32, #tpu.memory_space<vmem_shared>>) offsets(%dma_start3A_90 : memref<128xi32, #tpu.memory_space<vmem>>) semaphore(%run_scoped3A_87 : memref<!tpu.dma_semaphore, #tpu.memory_space<semaphore_mem>>) {add = true}
      %dma_wait3A_94 = arith.constant 0 : i32
      %dma_wait3A_95 = tpu.memref_slice %arg18[%run_scoped3A_84, %dma_wait3A_94] : memref<4x128xi32, #tpu.memory_space<vmem>> -> memref<1x128xi32, #tpu.memory_space<vmem>>
      %dma_wait3A_96 = tpu.memref_squeeze %dma_wait3A_95 : memref<1x128xi32, #tpu.memory_space<vmem>> -> memref<128xi32, #tpu.memory_space<vmem>>
      %dma_wait3A_97 = arith.constant 0 : i32
      %dma_wait3A_98 = arith.constant 0 : i32
      %dma_wait3A_99 = tpu.memref_slice %arg12[%dma_wait3A_97, %dma_wait3A_98] : memref<1024x128xf32, #tpu.memory_space<vmem_shared>> -> memref<1024x128xf32, #tpu.memory_space<vmem_shared>>
      tpu.wait_indirect_dma semaphore(%run_scoped3A_87 : memref<!tpu.dma_semaphore, #tpu.memory_space<semaphore_mem>>) src(%arg17 : memref<128x128xf32, #tpu.memory_space<vmem>>) dst(%dma_wait3A_99 : memref<1024x128xf32, #tpu.memory_space<vmem_shared>>)
      tpu.yield
    }) : () -> ()
    %run_scoped3A_85 = arith.constant 3 : i32
    "tpu.region"() ({
      %run_scoped3A_87 = tpu.sem_alloc : memref<!tpu.dma_semaphore, #tpu.memory_space<semaphore_mem>>
      %dma_start3A_88 = arith.constant 0 : i32
      %dma_start3A_89 = tpu.memref_slice %arg18[%run_scoped3A_85, %dma_start3A_88] : memref<4x128xi32, #tpu.memory_space<vmem>> -> memref<1x128xi32, #tpu.memory_space<vmem>>
      %dma_start3A_90 = tpu.memref_squeeze %dma_start3A_89 : memref<1x128xi32, #tpu.memory_space<vmem>> -> memref<128xi32, #tpu.memory_space<vmem>>
      %dma_start3A_91 = arith.constant 0 : i32
      %dma_start3A_92 = arith.constant 0 : i32
      %dma_start3A_93 = tpu.memref_slice %arg13[%dma_start3A_91, %dma_start3A_92] : memref<1024x16xf32, #tpu.memory_space<vmem_shared>> -> memref<1024x16xf32, #tpu.memory_space<vmem_shared>>
      tpu.enqueue_indirect_dma source(%arg19 : memref<128x16xf32, #tpu.memory_space<vmem>>) target(%dma_start3A_93 : memref<1024x16xf32, #tpu.memory_space<vmem_shared>>) offsets(%dma_start3A_90 : memref<128xi32, #tpu.memory_space<vmem>>) semaphore(%run_scoped3A_87 : memref<!tpu.dma_semaphore, #tpu.memory_space<semaphore_mem>>) {add = true}
      %dma_wait3A_94 = arith.constant 0 : i32
      %dma_wait3A_95 = tpu.memref_slice %arg18[%run_scoped3A_85, %dma_wait3A_94] : memref<4x128xi32, #tpu.memory_space<vmem>> -> memref<1x128xi32, #tpu.memory_space<vmem>>
      %dma_wait3A_96 = tpu.memref_squeeze %dma_wait3A_95 : memref<1x128xi32, #tpu.memory_space<vmem>> -> memref<128xi32, #tpu.memory_space<vmem>>
      %dma_wait3A_97 = arith.constant 0 : i32
      %dma_wait3A_98 = arith.constant 0 : i32
      %dma_wait3A_99 = tpu.memref_slice %arg13[%dma_wait3A_97, %dma_wait3A_98] : memref<1024x16xf32, #tpu.memory_space<vmem_shared>> -> memref<1024x16xf32, #tpu.memory_space<vmem_shared>>
      tpu.wait_indirect_dma semaphore(%run_scoped3A_87 : memref<!tpu.dma_semaphore, #tpu.memory_space<semaphore_mem>>) src(%arg19 : memref<128x16xf32, #tpu.memory_space<vmem>>) dst(%dma_wait3A_99 : memref<1024x16xf32, #tpu.memory_space<vmem_shared>>)
      tpu.yield
    }) : () -> ()
    %barrier3A_86 = arith.constant 0 : index
    tpu.barrier barrier_id(%barrier3A_86)
    "tpu.region"() ({
      %run_scoped3A_87 = tpu.sem_alloc : memref<!tpu.dma_semaphore, #tpu.memory_space<semaphore_mem>>
      %dma_start3A_88 = arith.constant 0 : i32
      %dma_start3A_89 = tpu.memref_slice %arg8[%arg0, %mul3A_4, %dma_start3A_88] : memref<2x1024x128xf32, #tpu.memory_space<hbm>> -> memref<1x64x128xf32, #tpu.memory_space<hbm>>
      %dma_start3A_90 = tpu.memref_squeeze %dma_start3A_89 : memref<1x64x128xf32, #tpu.memory_space<hbm>> -> memref<64x128xf32, #tpu.memory_space<hbm>>
      %dma_start3A_91 = arith.constant 0 : i32
      %dma_start3A_92 = tpu.memref_slice %arg11[%mul3A_4, %dma_start3A_91] : memref<1024x128xf32, #tpu.memory_space<vmem_shared>> -> memref<64x128xf32, #tpu.memory_space<vmem_shared>>
      tpu.enqueue_dma source(%dma_start3A_92 : memref<64x128xf32, #tpu.memory_space<vmem_shared>>) target(%dma_start3A_90 : memref<64x128xf32, #tpu.memory_space<hbm>>) target_semaphore(%run_scoped3A_87 : memref<!tpu.dma_semaphore, #tpu.memory_space<semaphore_mem>>)
      %dma_wait3A_93 = arith.constant 0 : i32
      %dma_wait3A_94 = tpu.memref_slice %arg8[%arg0, %mul3A_4, %dma_wait3A_93] : memref<2x1024x128xf32, #tpu.memory_space<hbm>> -> memref<1x64x128xf32, #tpu.memory_space<hbm>>
      %dma_wait3A_95 = tpu.memref_squeeze %dma_wait3A_94 : memref<1x64x128xf32, #tpu.memory_space<hbm>> -> memref<64x128xf32, #tpu.memory_space<hbm>>
      %dma_wait3A_96 = arith.constant 0 : i32
      %dma_wait3A_97 = tpu.memref_slice %arg11[%mul3A_4, %dma_wait3A_96] : memref<1024x128xf32, #tpu.memory_space<vmem_shared>> -> memref<64x128xf32, #tpu.memory_space<vmem_shared>>
      tpu.wait_dma2 semaphore(%run_scoped3A_87 : memref<!tpu.dma_semaphore, #tpu.memory_space<semaphore_mem>>) src(%dma_wait3A_97 : memref<64x128xf32, #tpu.memory_space<vmem_shared>>) dst(%dma_wait3A_95 : memref<64x128xf32, #tpu.memory_space<hbm>>)
      tpu.yield
    }) : () -> ()
    "tpu.region"() ({
      %run_scoped3A_87 = tpu.sem_alloc : memref<!tpu.dma_semaphore, #tpu.memory_space<semaphore_mem>>
      %dma_start3A_88 = arith.constant 0 : i32
      %dma_start3A_89 = tpu.memref_slice %arg9[%arg0, %mul3A_4, %dma_start3A_88] : memref<2x1024x128xf32, #tpu.memory_space<hbm>> -> memref<1x64x128xf32, #tpu.memory_space<hbm>>
      %dma_start3A_90 = tpu.memref_squeeze %dma_start3A_89 : memref<1x64x128xf32, #tpu.memory_space<hbm>> -> memref<64x128xf32, #tpu.memory_space<hbm>>
      %dma_start3A_91 = arith.constant 0 : i32
      %dma_start3A_92 = tpu.memref_slice %arg12[%mul3A_4, %dma_start3A_91] : memref<1024x128xf32, #tpu.memory_space<vmem_shared>> -> memref<64x128xf32, #tpu.memory_space<vmem_shared>>
      tpu.enqueue_dma source(%dma_start3A_92 : memref<64x128xf32, #tpu.memory_space<vmem_shared>>) target(%dma_start3A_90 : memref<64x128xf32, #tpu.memory_space<hbm>>) target_semaphore(%run_scoped3A_87 : memref<!tpu.dma_semaphore, #tpu.memory_space<semaphore_mem>>)
      %dma_wait3A_93 = arith.constant 0 : i32
      %dma_wait3A_94 = tpu.memref_slice %arg9[%arg0, %mul3A_4, %dma_wait3A_93] : memref<2x1024x128xf32, #tpu.memory_space<hbm>> -> memref<1x64x128xf32, #tpu.memory_space<hbm>>
      %dma_wait3A_95 = tpu.memref_squeeze %dma_wait3A_94 : memref<1x64x128xf32, #tpu.memory_space<hbm>> -> memref<64x128xf32, #tpu.memory_space<hbm>>
      %dma_wait3A_96 = arith.constant 0 : i32
      %dma_wait3A_97 = tpu.memref_slice %arg12[%mul3A_4, %dma_wait3A_96] : memref<1024x128xf32, #tpu.memory_space<vmem_shared>> -> memref<64x128xf32, #tpu.memory_space<vmem_shared>>
      tpu.wait_dma2 semaphore(%run_scoped3A_87 : memref<!tpu.dma_semaphore, #tpu.memory_space<semaphore_mem>>) src(%dma_wait3A_97 : memref<64x128xf32, #tpu.memory_space<vmem_shared>>) dst(%dma_wait3A_95 : memref<64x128xf32, #tpu.memory_space<hbm>>)
      tpu.yield
    }) : () -> ()
    "tpu.region"() ({
      %run_scoped3A_87 = tpu.sem_alloc : memref<!tpu.dma_semaphore, #tpu.memory_space<semaphore_mem>>
      %dma_start3A_88 = arith.constant 0 : i32
      %dma_start3A_89 = tpu.memref_slice %arg10[%arg0, %mul3A_4, %dma_start3A_88] : memref<2x1024x16xf32, #tpu.memory_space<hbm>> -> memref<1x64x16xf32, #tpu.memory_space<hbm>>
      %dma_start3A_90 = tpu.memref_squeeze %dma_start3A_89 : memref<1x64x16xf32, #tpu.memory_space<hbm>> -> memref<64x16xf32, #tpu.memory_space<hbm>>
      %dma_start3A_91 = arith.constant 0 : i32
      %dma_start3A_92 = tpu.memref_slice %arg13[%mul3A_4, %dma_start3A_91] : memref<1024x16xf32, #tpu.memory_space<vmem_shared>> -> memref<64x16xf32, #tpu.memory_space<vmem_shared>>
      tpu.enqueue_dma source(%dma_start3A_92 : memref<64x16xf32, #tpu.memory_space<vmem_shared>>) target(%dma_start3A_90 : memref<64x16xf32, #tpu.memory_space<hbm>>) target_semaphore(%run_scoped3A_87 : memref<!tpu.dma_semaphore, #tpu.memory_space<semaphore_mem>>)
      %dma_wait3A_93 = arith.constant 0 : i32
      %dma_wait3A_94 = tpu.memref_slice %arg10[%arg0, %mul3A_4, %dma_wait3A_93] : memref<2x1024x16xf32, #tpu.memory_space<hbm>> -> memref<1x64x16xf32, #tpu.memory_space<hbm>>
      %dma_wait3A_95 = tpu.memref_squeeze %dma_wait3A_94 : memref<1x64x16xf32, #tpu.memory_space<hbm>> -> memref<64x16xf32, #tpu.memory_space<hbm>>
      %dma_wait3A_96 = arith.constant 0 : i32
      %dma_wait3A_97 = tpu.memref_slice %arg13[%mul3A_4, %dma_wait3A_96] : memref<1024x16xf32, #tpu.memory_space<vmem_shared>> -> memref<64x16xf32, #tpu.memory_space<vmem_shared>>
      tpu.wait_dma2 semaphore(%run_scoped3A_87 : memref<!tpu.dma_semaphore, #tpu.memory_space<semaphore_mem>>) src(%dma_wait3A_97 : memref<64x16xf32, #tpu.memory_space<vmem_shared>>) dst(%dma_wait3A_95 : memref<64x16xf32, #tpu.memory_space<hbm>>)
      tpu.yield
    }) : () -> ()
    return
  }
}

#map = affine_map<(d0, d1) -> (0, 0)>
#map1 = affine_map<(d0, d1) -> (0, 0, 0)>
module attributes {stable_mosaic.version = 14 : i64} {
  func.func @_sc_gather_body(%arg0: i32, %arg1: i32, %arg2: memref<1024x256xf32, #tpu.memory_space<hbm>>, %arg3: memref<128x128xi32, #tpu.memory_space<hbm>>, %arg4: memref<128x128x256xf32, #tpu.memory_space<hbm>>, %arg5: memref<2x128x256xf32, #tpu.memory_space<vmem>>, %arg6: memref<4x128xi32, #tpu.memory_space<vmem>>, %arg7: memref<!tpu.dma_semaphore, #tpu.memory_space<semaphore_mem>>, %arg8: memref<!tpu.dma_semaphore, #tpu.memory_space<semaphore_mem>>) attributes {dimension_semantics = [#tpu.dimension_semantics<core_parallel>, #tpu.dimension_semantics<subcore_parallel>], iteration_bounds = array<i64: 2, 16>, scalar_prefetch = 0 : i64, scratch_operands = 4 : i64, tpu.core_type = #tpu.core_type<sc_vector_subcore>, window_params = [{transform_indices = #map}, {transform_indices = #map}, {transform_indices = #map1}]} {
    %mul3A = arith.constant 2 : i32
    %mul3A_0 = arith.muli %arg1, %mul3A : i32
    %add3A = arith.addi %mul3A_0, %arg0 : i32
    %mul3A_1 = arith.constant 4 : i32
    %mul3A_2 = arith.muli %add3A, %mul3A_1 : i32
    "tpu.region"() ({
      %run_scoped3A = tpu.sem_alloc : memref<!tpu.dma_semaphore, #tpu.memory_space<semaphore_mem>>
      %dma_start3A_241 = arith.constant 0 : i32
      %dma_start3A_242 = tpu.memref_slice %arg3[%mul3A_2, %dma_start3A_241] : memref<128x128xi32, #tpu.memory_space<hbm>> -> memref<4x128xi32, #tpu.memory_space<hbm>>
      %dma_start3A_243 = arith.constant 0 : i32
      %dma_start3A_244 = tpu.memref_slice %arg3[%mul3A_2, %dma_start3A_243] : memref<128x128xi32, #tpu.memory_space<hbm>> -> memref<4x128xi32, #tpu.memory_space<hbm>>
      tpu.enqueue_dma source(%dma_start3A_244 : memref<4x128xi32, #tpu.memory_space<hbm>>) target(%arg6 : memref<4x128xi32, #tpu.memory_space<vmem>>) target_semaphore(%run_scoped3A : memref<!tpu.dma_semaphore, #tpu.memory_space<semaphore_mem>>)
      %dma_wait3A_245 = arith.constant 0 : i32
      %dma_wait3A_246 = tpu.memref_slice %arg3[%mul3A_2, %dma_wait3A_245] : memref<128x128xi32, #tpu.memory_space<hbm>> -> memref<4x128xi32, #tpu.memory_space<hbm>>
      %dma_wait3A_247 = arith.constant 0 : i32
      %dma_wait3A_248 = tpu.memref_slice %arg3[%mul3A_2, %dma_wait3A_247] : memref<128x128xi32, #tpu.memory_space<hbm>> -> memref<4x128xi32, #tpu.memory_space<hbm>>
      tpu.wait_dma2 semaphore(%run_scoped3A : memref<!tpu.dma_semaphore, #tpu.memory_space<semaphore_mem>>) src(%dma_wait3A_248 : memref<4x128xi32, #tpu.memory_space<hbm>>) dst(%arg6 : memref<4x128xi32, #tpu.memory_space<vmem>>)
      tpu.yield
    }) : () -> ()
    %dma_start3A = arith.constant 0 : i32
    %dma_start3A_3 = arith.constant 0 : i32
    %dma_start3A_4 = arith.constant 0 : i32
    %dma_start3A_5 = arith.constant 0 : i32
    %dma_start3A_6 = tpu.memref_slice %arg5[%dma_start3A_3, %dma_start3A_4, %dma_start3A_5] : memref<2x128x256xf32, #tpu.memory_space<vmem>> -> memref<1x128x256xf32, #tpu.memory_space<vmem>>
    %dma_start3A_7 = tpu.memref_squeeze %dma_start3A_6 : memref<1x128x256xf32, #tpu.memory_space<vmem>> -> memref<128x256xf32, #tpu.memory_space<vmem>>
    %dma_start3A_8 = arith.constant 0 : i32
    %dma_start3A_9 = tpu.memref_slice %arg6[%dma_start3A, %dma_start3A_8] : memref<4x128xi32, #tpu.memory_space<vmem>> -> memref<1x128xi32, #tpu.memory_space<vmem>>
    %dma_start3A_10 = tpu.memref_squeeze %dma_start3A_9 : memref<1x128xi32, #tpu.memory_space<vmem>> -> memref<128xi32, #tpu.memory_space<vmem>>
    %dma_start3A_11 = arith.constant 0 : i32
    %dma_start3A_12 = arith.constant 0 : i32
    %dma_start3A_13 = tpu.memref_slice %arg2[%dma_start3A_11, %dma_start3A_12] : memref<1024x256xf32, #tpu.memory_space<hbm>> -> memref<1024x256xf32, #tpu.memory_space<hbm>>
    tpu.enqueue_indirect_dma source(%dma_start3A_13 : memref<1024x256xf32, #tpu.memory_space<hbm>>) target(%dma_start3A_7 : memref<128x256xf32, #tpu.memory_space<vmem>>) offsets(%dma_start3A_10 : memref<128xi32, #tpu.memory_space<vmem>>) semaphore(%arg7 : memref<!tpu.dma_semaphore, #tpu.memory_space<semaphore_mem>>)
    %dma_start3A_14 = arith.constant 1 : i32
    %dma_start3A_15 = arith.constant 1 : i32
    %dma_start3A_16 = arith.constant 0 : i32
    %dma_start3A_17 = arith.constant 0 : i32
    %dma_start3A_18 = tpu.memref_slice %arg5[%dma_start3A_15, %dma_start3A_16, %dma_start3A_17] : memref<2x128x256xf32, #tpu.memory_space<vmem>> -> memref<1x128x256xf32, #tpu.memory_space<vmem>>
    %dma_start3A_19 = tpu.memref_squeeze %dma_start3A_18 : memref<1x128x256xf32, #tpu.memory_space<vmem>> -> memref<128x256xf32, #tpu.memory_space<vmem>>
    %dma_start3A_20 = arith.constant 0 : i32
    %dma_start3A_21 = tpu.memref_slice %arg6[%dma_start3A_14, %dma_start3A_20] : memref<4x128xi32, #tpu.memory_space<vmem>> -> memref<1x128xi32, #tpu.memory_space<vmem>>
    %dma_start3A_22 = tpu.memref_squeeze %dma_start3A_21 : memref<1x128xi32, #tpu.memory_space<vmem>> -> memref<128xi32, #tpu.memory_space<vmem>>
    %dma_start3A_23 = arith.constant 0 : i32
    %dma_start3A_24 = arith.constant 0 : i32
    %dma_start3A_25 = tpu.memref_slice %arg2[%dma_start3A_23, %dma_start3A_24] : memref<1024x256xf32, #tpu.memory_space<hbm>> -> memref<1024x256xf32, #tpu.memory_space<hbm>>
    tpu.enqueue_indirect_dma source(%dma_start3A_25 : memref<1024x256xf32, #tpu.memory_space<hbm>>) target(%dma_start3A_19 : memref<128x256xf32, #tpu.memory_space<vmem>>) offsets(%dma_start3A_22 : memref<128xi32, #tpu.memory_space<vmem>>) semaphore(%arg7 : memref<!tpu.dma_semaphore, #tpu.memory_space<semaphore_mem>>)
    %dma_wait3A = arith.constant 0 : i32
    %dma_wait3A_26 = arith.constant 0 : i32
    %dma_wait3A_27 = arith.constant 0 : i32
    %dma_wait3A_28 = arith.constant 0 : i32
    %dma_wait3A_29 = tpu.memref_slice %arg5[%dma_wait3A_26, %dma_wait3A_27, %dma_wait3A_28] : memref<2x128x256xf32, #tpu.memory_space<vmem>> -> memref<1x128x256xf32, #tpu.memory_space<vmem>>
    %dma_wait3A_30 = tpu.memref_squeeze %dma_wait3A_29 : memref<1x128x256xf32, #tpu.memory_space<vmem>> -> memref<128x256xf32, #tpu.memory_space<vmem>>
    %dma_wait3A_31 = arith.constant 0 : i32
    %dma_wait3A_32 = tpu.memref_slice %arg6[%dma_wait3A, %dma_wait3A_31] : memref<4x128xi32, #tpu.memory_space<vmem>> -> memref<1x128xi32, #tpu.memory_space<vmem>>
    %dma_wait3A_33 = tpu.memref_squeeze %dma_wait3A_32 : memref<1x128xi32, #tpu.memory_space<vmem>> -> memref<128xi32, #tpu.memory_space<vmem>>
    %dma_wait3A_34 = arith.constant 0 : i32
    %dma_wait3A_35 = arith.constant 0 : i32
    %dma_wait3A_36 = tpu.memref_slice %arg2[%dma_wait3A_34, %dma_wait3A_35] : memref<1024x256xf32, #tpu.memory_space<hbm>> -> memref<1024x256xf32, #tpu.memory_space<hbm>>
    tpu.wait_indirect_dma semaphore(%arg7 : memref<!tpu.dma_semaphore, #tpu.memory_space<semaphore_mem>>) src(%dma_wait3A_36 : memref<1024x256xf32, #tpu.memory_space<hbm>>) dst(%dma_wait3A_30 : memref<128x256xf32, #tpu.memory_space<vmem>>)
    %add3A_37 = arith.constant 0 : i32
    %add3A_38 = arith.addi %mul3A_2, %add3A_37 : i32
    %dma_start3A_39 = arith.constant 0 : i32
    %dma_start3A_40 = arith.constant 0 : i32
    %dma_start3A_41 = arith.constant 0 : i32
    %dma_start3A_42 = tpu.memref_slice %arg5[%dma_start3A_39, %dma_start3A_40, %dma_start3A_41] : memref<2x128x256xf32, #tpu.memory_space<vmem>> -> memref<1x128x256xf32, #tpu.memory_space<vmem>>
    %dma_start3A_43 = tpu.memref_squeeze %dma_start3A_42 : memref<1x128x256xf32, #tpu.memory_space<vmem>> -> memref<128x256xf32, #tpu.memory_space<vmem>>
    %dma_start3A_44 = arith.constant 0 : i32
    %dma_start3A_45 = arith.constant 0 : i32
    %dma_start3A_46 = tpu.memref_slice %arg4[%add3A_38, %dma_start3A_44, %dma_start3A_45] : memref<128x128x256xf32, #tpu.memory_space<hbm>> -> memref<1x128x256xf32, #tpu.memory_space<hbm>>
    %dma_start3A_47 = tpu.memref_squeeze %dma_start3A_46 : memref<1x128x256xf32, #tpu.memory_space<hbm>> -> memref<128x256xf32, #tpu.memory_space<hbm>>
    %dma_start3A_48 = arith.constant 0 : i32
    %dma_start3A_49 = arith.constant 0 : i32
    %dma_start3A_50 = tpu.memref_slice %arg4[%add3A_38, %dma_start3A_48, %dma_start3A_49] : memref<128x128x256xf32, #tpu.memory_space<hbm>> -> memref<1x128x256xf32, #tpu.memory_space<hbm>>
    %dma_start3A_51 = tpu.memref_squeeze %dma_start3A_50 : memref<1x128x256xf32, #tpu.memory_space<hbm>> -> memref<128x256xf32, #tpu.memory_space<hbm>>
    %dma_start3A_52 = arith.constant 0 : i32
    %dma_start3A_53 = arith.constant 0 : i32
    %dma_start3A_54 = tpu.memref_slice %arg5[%dma_start3A_39, %dma_start3A_52, %dma_start3A_53] : memref<2x128x256xf32, #tpu.memory_space<vmem>> -> memref<1x128x256xf32, #tpu.memory_space<vmem>>
    %dma_start3A_55 = tpu.memref_squeeze %dma_start3A_54 : memref<1x128x256xf32, #tpu.memory_space<vmem>> -> memref<128x256xf32, #tpu.memory_space<vmem>>
    tpu.enqueue_dma source(%dma_start3A_55 : memref<128x256xf32, #tpu.memory_space<vmem>>) target(%dma_start3A_51 : memref<128x256xf32, #tpu.memory_space<hbm>>) target_semaphore(%arg8 : memref<!tpu.dma_semaphore, #tpu.memory_space<semaphore_mem>>)
    %dma_wait3A_56 = arith.constant 0 : i32
    %dma_wait3A_57 = arith.constant 0 : i32
    %dma_wait3A_58 = arith.constant 0 : i32
    %dma_wait3A_59 = tpu.memref_slice %arg5[%dma_wait3A_56, %dma_wait3A_57, %dma_wait3A_58] : memref<2x128x256xf32, #tpu.memory_space<vmem>> -> memref<1x128x256xf32, #tpu.memory_space<vmem>>
    %dma_wait3A_60 = tpu.memref_squeeze %dma_wait3A_59 : memref<1x128x256xf32, #tpu.memory_space<vmem>> -> memref<128x256xf32, #tpu.memory_space<vmem>>
    %dma_wait3A_61 = arith.constant 0 : i32
    %dma_wait3A_62 = arith.constant 0 : i32
    %dma_wait3A_63 = tpu.memref_slice %arg4[%add3A_38, %dma_wait3A_61, %dma_wait3A_62] : memref<128x128x256xf32, #tpu.memory_space<hbm>> -> memref<1x128x256xf32, #tpu.memory_space<hbm>>
    %dma_wait3A_64 = tpu.memref_squeeze %dma_wait3A_63 : memref<1x128x256xf32, #tpu.memory_space<hbm>> -> memref<128x256xf32, #tpu.memory_space<hbm>>
    %dma_wait3A_65 = arith.constant 0 : i32
    %dma_wait3A_66 = arith.constant 0 : i32
    %dma_wait3A_67 = tpu.memref_slice %arg4[%add3A_38, %dma_wait3A_65, %dma_wait3A_66] : memref<128x128x256xf32, #tpu.memory_space<hbm>> -> memref<1x128x256xf32, #tpu.memory_space<hbm>>
    %dma_wait3A_68 = tpu.memref_squeeze %dma_wait3A_67 : memref<1x128x256xf32, #tpu.memory_space<hbm>> -> memref<128x256xf32, #tpu.memory_space<hbm>>
    %dma_wait3A_69 = arith.constant 0 : i32
    %dma_wait3A_70 = arith.constant 0 : i32
    %dma_wait3A_71 = tpu.memref_slice %arg5[%dma_wait3A_56, %dma_wait3A_69, %dma_wait3A_70] : memref<2x128x256xf32, #tpu.memory_space<vmem>> -> memref<1x128x256xf32, #tpu.memory_space<vmem>>
    %dma_wait3A_72 = tpu.memref_squeeze %dma_wait3A_71 : memref<1x128x256xf32, #tpu.memory_space<vmem>> -> memref<128x256xf32, #tpu.memory_space<vmem>>
    tpu.wait_dma2 semaphore(%arg8 : memref<!tpu.dma_semaphore, #tpu.memory_space<semaphore_mem>>) src(%dma_wait3A_72 : memref<128x256xf32, #tpu.memory_space<vmem>>) dst(%dma_wait3A_68 : memref<128x256xf32, #tpu.memory_space<hbm>>)
    %dma_start3A_73 = arith.constant 2 : i32
    %dma_start3A_74 = arith.constant 0 : i32
    %dma_start3A_75 = arith.constant 0 : i32
    %dma_start3A_76 = arith.constant 0 : i32
    %dma_start3A_77 = tpu.memref_slice %arg5[%dma_start3A_74, %dma_start3A_75, %dma_start3A_76] : memref<2x128x256xf32, #tpu.memory_space<vmem>> -> memref<1x128x256xf32, #tpu.memory_space<vmem>>
    %dma_start3A_78 = tpu.memref_squeeze %dma_start3A_77 : memref<1x128x256xf32, #tpu.memory_space<vmem>> -> memref<128x256xf32, #tpu.memory_space<vmem>>
    %dma_start3A_79 = arith.constant 0 : i32
    %dma_start3A_80 = tpu.memref_slice %arg6[%dma_start3A_73, %dma_start3A_79] : memref<4x128xi32, #tpu.memory_space<vmem>> -> memref<1x128xi32, #tpu.memory_space<vmem>>
    %dma_start3A_81 = tpu.memref_squeeze %dma_start3A_80 : memref<1x128xi32, #tpu.memory_space<vmem>> -> memref<128xi32, #tpu.memory_space<vmem>>
    %dma_start3A_82 = arith.constant 0 : i32
    %dma_start3A_83 = arith.constant 0 : i32
    %dma_start3A_84 = tpu.memref_slice %arg2[%dma_start3A_82, %dma_start3A_83] : memref<1024x256xf32, #tpu.memory_space<hbm>> -> memref<1024x256xf32, #tpu.memory_space<hbm>>
    tpu.enqueue_indirect_dma source(%dma_start3A_84 : memref<1024x256xf32, #tpu.memory_space<hbm>>) target(%dma_start3A_78 : memref<128x256xf32, #tpu.memory_space<vmem>>) offsets(%dma_start3A_81 : memref<128xi32, #tpu.memory_space<vmem>>) semaphore(%arg7 : memref<!tpu.dma_semaphore, #tpu.memory_space<semaphore_mem>>)
    %dma_wait3A_85 = arith.constant 1 : i32
    %dma_wait3A_86 = arith.constant 1 : i32
    %dma_wait3A_87 = arith.constant 0 : i32
    %dma_wait3A_88 = arith.constant 0 : i32
    %dma_wait3A_89 = tpu.memref_slice %arg5[%dma_wait3A_86, %dma_wait3A_87, %dma_wait3A_88] : memref<2x128x256xf32, #tpu.memory_space<vmem>> -> memref<1x128x256xf32, #tpu.memory_space<vmem>>
    %dma_wait3A_90 = tpu.memref_squeeze %dma_wait3A_89 : memref<1x128x256xf32, #tpu.memory_space<vmem>> -> memref<128x256xf32, #tpu.memory_space<vmem>>
    %dma_wait3A_91 = arith.constant 0 : i32
    %dma_wait3A_92 = tpu.memref_slice %arg6[%dma_wait3A_85, %dma_wait3A_91] : memref<4x128xi32, #tpu.memory_space<vmem>> -> memref<1x128xi32, #tpu.memory_space<vmem>>
    %dma_wait3A_93 = tpu.memref_squeeze %dma_wait3A_92 : memref<1x128xi32, #tpu.memory_space<vmem>> -> memref<128xi32, #tpu.memory_space<vmem>>
    %dma_wait3A_94 = arith.constant 0 : i32
    %dma_wait3A_95 = arith.constant 0 : i32
    %dma_wait3A_96 = tpu.memref_slice %arg2[%dma_wait3A_94, %dma_wait3A_95] : memref<1024x256xf32, #tpu.memory_space<hbm>> -> memref<1024x256xf32, #tpu.memory_space<hbm>>
    tpu.wait_indirect_dma semaphore(%arg7 : memref<!tpu.dma_semaphore, #tpu.memory_space<semaphore_mem>>) src(%dma_wait3A_96 : memref<1024x256xf32, #tpu.memory_space<hbm>>) dst(%dma_wait3A_90 : memref<128x256xf32, #tpu.memory_space<vmem>>)
    %add3A_97 = arith.constant 1 : i32
    %add3A_98 = arith.addi %mul3A_2, %add3A_97 : i32
    %dma_start3A_99 = arith.constant 1 : i32
    %dma_start3A_100 = arith.constant 0 : i32
    %dma_start3A_101 = arith.constant 0 : i32
    %dma_start3A_102 = tpu.memref_slice %arg5[%dma_start3A_99, %dma_start3A_100, %dma_start3A_101] : memref<2x128x256xf32, #tpu.memory_space<vmem>> -> memref<1x128x256xf32, #tpu.memory_space<vmem>>
    %dma_start3A_103 = tpu.memref_squeeze %dma_start3A_102 : memref<1x128x256xf32, #tpu.memory_space<vmem>> -> memref<128x256xf32, #tpu.memory_space<vmem>>
    %dma_start3A_104 = arith.constant 0 : i32
    %dma_start3A_105 = arith.constant 0 : i32
    %dma_start3A_106 = tpu.memref_slice %arg4[%add3A_98, %dma_start3A_104, %dma_start3A_105] : memref<128x128x256xf32, #tpu.memory_space<hbm>> -> memref<1x128x256xf32, #tpu.memory_space<hbm>>
    %dma_start3A_107 = tpu.memref_squeeze %dma_start3A_106 : memref<1x128x256xf32, #tpu.memory_space<hbm>> -> memref<128x256xf32, #tpu.memory_space<hbm>>
    %dma_start3A_108 = arith.constant 0 : i32
    %dma_start3A_109 = arith.constant 0 : i32
    %dma_start3A_110 = tpu.memref_slice %arg4[%add3A_98, %dma_start3A_108, %dma_start3A_109] : memref<128x128x256xf32, #tpu.memory_space<hbm>> -> memref<1x128x256xf32, #tpu.memory_space<hbm>>
    %dma_start3A_111 = tpu.memref_squeeze %dma_start3A_110 : memref<1x128x256xf32, #tpu.memory_space<hbm>> -> memref<128x256xf32, #tpu.memory_space<hbm>>
    %dma_start3A_112 = arith.constant 0 : i32
    %dma_start3A_113 = arith.constant 0 : i32
    %dma_start3A_114 = tpu.memref_slice %arg5[%dma_start3A_99, %dma_start3A_112, %dma_start3A_113] : memref<2x128x256xf32, #tpu.memory_space<vmem>> -> memref<1x128x256xf32, #tpu.memory_space<vmem>>
    %dma_start3A_115 = tpu.memref_squeeze %dma_start3A_114 : memref<1x128x256xf32, #tpu.memory_space<vmem>> -> memref<128x256xf32, #tpu.memory_space<vmem>>
    tpu.enqueue_dma source(%dma_start3A_115 : memref<128x256xf32, #tpu.memory_space<vmem>>) target(%dma_start3A_111 : memref<128x256xf32, #tpu.memory_space<hbm>>) target_semaphore(%arg8 : memref<!tpu.dma_semaphore, #tpu.memory_space<semaphore_mem>>)
    %dma_wait3A_116 = arith.constant 1 : i32
    %dma_wait3A_117 = arith.constant 0 : i32
    %dma_wait3A_118 = arith.constant 0 : i32
    %dma_wait3A_119 = tpu.memref_slice %arg5[%dma_wait3A_116, %dma_wait3A_117, %dma_wait3A_118] : memref<2x128x256xf32, #tpu.memory_space<vmem>> -> memref<1x128x256xf32, #tpu.memory_space<vmem>>
    %dma_wait3A_120 = tpu.memref_squeeze %dma_wait3A_119 : memref<1x128x256xf32, #tpu.memory_space<vmem>> -> memref<128x256xf32, #tpu.memory_space<vmem>>
    %dma_wait3A_121 = arith.constant 0 : i32
    %dma_wait3A_122 = arith.constant 0 : i32
    %dma_wait3A_123 = tpu.memref_slice %arg4[%add3A_98, %dma_wait3A_121, %dma_wait3A_122] : memref<128x128x256xf32, #tpu.memory_space<hbm>> -> memref<1x128x256xf32, #tpu.memory_space<hbm>>
    %dma_wait3A_124 = tpu.memref_squeeze %dma_wait3A_123 : memref<1x128x256xf32, #tpu.memory_space<hbm>> -> memref<128x256xf32, #tpu.memory_space<hbm>>
    %dma_wait3A_125 = arith.constant 0 : i32
    %dma_wait3A_126 = arith.constant 0 : i32
    %dma_wait3A_127 = tpu.memref_slice %arg4[%add3A_98, %dma_wait3A_125, %dma_wait3A_126] : memref<128x128x256xf32, #tpu.memory_space<hbm>> -> memref<1x128x256xf32, #tpu.memory_space<hbm>>
    %dma_wait3A_128 = tpu.memref_squeeze %dma_wait3A_127 : memref<1x128x256xf32, #tpu.memory_space<hbm>> -> memref<128x256xf32, #tpu.memory_space<hbm>>
    %dma_wait3A_129 = arith.constant 0 : i32
    %dma_wait3A_130 = arith.constant 0 : i32
    %dma_wait3A_131 = tpu.memref_slice %arg5[%dma_wait3A_116, %dma_wait3A_129, %dma_wait3A_130] : memref<2x128x256xf32, #tpu.memory_space<vmem>> -> memref<1x128x256xf32, #tpu.memory_space<vmem>>
    %dma_wait3A_132 = tpu.memref_squeeze %dma_wait3A_131 : memref<1x128x256xf32, #tpu.memory_space<vmem>> -> memref<128x256xf32, #tpu.memory_space<vmem>>
    tpu.wait_dma2 semaphore(%arg8 : memref<!tpu.dma_semaphore, #tpu.memory_space<semaphore_mem>>) src(%dma_wait3A_132 : memref<128x256xf32, #tpu.memory_space<vmem>>) dst(%dma_wait3A_128 : memref<128x256xf32, #tpu.memory_space<hbm>>)
    %dma_start3A_133 = arith.constant 3 : i32
    %dma_start3A_134 = arith.constant 1 : i32
    %dma_start3A_135 = arith.constant 0 : i32
    %dma_start3A_136 = arith.constant 0 : i32
    %dma_start3A_137 = tpu.memref_slice %arg5[%dma_start3A_134, %dma_start3A_135, %dma_start3A_136] : memref<2x128x256xf32, #tpu.memory_space<vmem>> -> memref<1x128x256xf32, #tpu.memory_space<vmem>>
    %dma_start3A_138 = tpu.memref_squeeze %dma_start3A_137 : memref<1x128x256xf32, #tpu.memory_space<vmem>> -> memref<128x256xf32, #tpu.memory_space<vmem>>
    %dma_start3A_139 = arith.constant 0 : i32
    %dma_start3A_140 = tpu.memref_slice %arg6[%dma_start3A_133, %dma_start3A_139] : memref<4x128xi32, #tpu.memory_space<vmem>> -> memref<1x128xi32, #tpu.memory_space<vmem>>
    %dma_start3A_141 = tpu.memref_squeeze %dma_start3A_140 : memref<1x128xi32, #tpu.memory_space<vmem>> -> memref<128xi32, #tpu.memory_space<vmem>>
    %dma_start3A_142 = arith.constant 0 : i32
    %dma_start3A_143 = arith.constant 0 : i32
    %dma_start3A_144 = tpu.memref_slice %arg2[%dma_start3A_142, %dma_start3A_143] : memref<1024x256xf32, #tpu.memory_space<hbm>> -> memref<1024x256xf32, #tpu.memory_space<hbm>>
    tpu.enqueue_indirect_dma source(%dma_start3A_144 : memref<1024x256xf32, #tpu.memory_space<hbm>>) target(%dma_start3A_138 : memref<128x256xf32, #tpu.memory_space<vmem>>) offsets(%dma_start3A_141 : memref<128xi32, #tpu.memory_space<vmem>>) semaphore(%arg7 : memref<!tpu.dma_semaphore, #tpu.memory_space<semaphore_mem>>)
    %dma_wait3A_145 = arith.constant 2 : i32
    %dma_wait3A_146 = arith.constant 0 : i32
    %dma_wait3A_147 = arith.constant 0 : i32
    %dma_wait3A_148 = arith.constant 0 : i32
    %dma_wait3A_149 = tpu.memref_slice %arg5[%dma_wait3A_146, %dma_wait3A_147, %dma_wait3A_148] : memref<2x128x256xf32, #tpu.memory_space<vmem>> -> memref<1x128x256xf32, #tpu.memory_space<vmem>>
    %dma_wait3A_150 = tpu.memref_squeeze %dma_wait3A_149 : memref<1x128x256xf32, #tpu.memory_space<vmem>> -> memref<128x256xf32, #tpu.memory_space<vmem>>
    %dma_wait3A_151 = arith.constant 0 : i32
    %dma_wait3A_152 = tpu.memref_slice %arg6[%dma_wait3A_145, %dma_wait3A_151] : memref<4x128xi32, #tpu.memory_space<vmem>> -> memref<1x128xi32, #tpu.memory_space<vmem>>
    %dma_wait3A_153 = tpu.memref_squeeze %dma_wait3A_152 : memref<1x128xi32, #tpu.memory_space<vmem>> -> memref<128xi32, #tpu.memory_space<vmem>>
    %dma_wait3A_154 = arith.constant 0 : i32
    %dma_wait3A_155 = arith.constant 0 : i32
    %dma_wait3A_156 = tpu.memref_slice %arg2[%dma_wait3A_154, %dma_wait3A_155] : memref<1024x256xf32, #tpu.memory_space<hbm>> -> memref<1024x256xf32, #tpu.memory_space<hbm>>
    tpu.wait_indirect_dma semaphore(%arg7 : memref<!tpu.dma_semaphore, #tpu.memory_space<semaphore_mem>>) src(%dma_wait3A_156 : memref<1024x256xf32, #tpu.memory_space<hbm>>) dst(%dma_wait3A_150 : memref<128x256xf32, #tpu.memory_space<vmem>>)
    %add3A_157 = arith.constant 2 : i32
    %add3A_158 = arith.addi %mul3A_2, %add3A_157 : i32
    %dma_start3A_159 = arith.constant 0 : i32
    %dma_start3A_160 = arith.constant 0 : i32
    %dma_start3A_161 = arith.constant 0 : i32
    %dma_start3A_162 = tpu.memref_slice %arg5[%dma_start3A_159, %dma_start3A_160, %dma_start3A_161] : memref<2x128x256xf32, #tpu.memory_space<vmem>> -> memref<1x128x256xf32, #tpu.memory_space<vmem>>
    %dma_start3A_163 = tpu.memref_squeeze %dma_start3A_162 : memref<1x128x256xf32, #tpu.memory_space<vmem>> -> memref<128x256xf32, #tpu.memory_space<vmem>>
    %dma_start3A_164 = arith.constant 0 : i32
    %dma_start3A_165 = arith.constant 0 : i32
    %dma_start3A_166 = tpu.memref_slice %arg4[%add3A_158, %dma_start3A_164, %dma_start3A_165] : memref<128x128x256xf32, #tpu.memory_space<hbm>> -> memref<1x128x256xf32, #tpu.memory_space<hbm>>
    %dma_start3A_167 = tpu.memref_squeeze %dma_start3A_166 : memref<1x128x256xf32, #tpu.memory_space<hbm>> -> memref<128x256xf32, #tpu.memory_space<hbm>>
    %dma_start3A_168 = arith.constant 0 : i32
    %dma_start3A_169 = arith.constant 0 : i32
    %dma_start3A_170 = tpu.memref_slice %arg4[%add3A_158, %dma_start3A_168, %dma_start3A_169] : memref<128x128x256xf32, #tpu.memory_space<hbm>> -> memref<1x128x256xf32, #tpu.memory_space<hbm>>
    %dma_start3A_171 = tpu.memref_squeeze %dma_start3A_170 : memref<1x128x256xf32, #tpu.memory_space<hbm>> -> memref<128x256xf32, #tpu.memory_space<hbm>>
    %dma_start3A_172 = arith.constant 0 : i32
    %dma_start3A_173 = arith.constant 0 : i32
    %dma_start3A_174 = tpu.memref_slice %arg5[%dma_start3A_159, %dma_start3A_172, %dma_start3A_173] : memref<2x128x256xf32, #tpu.memory_space<vmem>> -> memref<1x128x256xf32, #tpu.memory_space<vmem>>
    %dma_start3A_175 = tpu.memref_squeeze %dma_start3A_174 : memref<1x128x256xf32, #tpu.memory_space<vmem>> -> memref<128x256xf32, #tpu.memory_space<vmem>>
    tpu.enqueue_dma source(%dma_start3A_175 : memref<128x256xf32, #tpu.memory_space<vmem>>) target(%dma_start3A_171 : memref<128x256xf32, #tpu.memory_space<hbm>>) target_semaphore(%arg8 : memref<!tpu.dma_semaphore, #tpu.memory_space<semaphore_mem>>)
    %dma_wait3A_176 = arith.constant 3 : i32
    %dma_wait3A_177 = arith.constant 1 : i32
    %dma_wait3A_178 = arith.constant 0 : i32
    %dma_wait3A_179 = arith.constant 0 : i32
    %dma_wait3A_180 = tpu.memref_slice %arg5[%dma_wait3A_177, %dma_wait3A_178, %dma_wait3A_179] : memref<2x128x256xf32, #tpu.memory_space<vmem>> -> memref<1x128x256xf32, #tpu.memory_space<vmem>>
    %dma_wait3A_181 = tpu.memref_squeeze %dma_wait3A_180 : memref<1x128x256xf32, #tpu.memory_space<vmem>> -> memref<128x256xf32, #tpu.memory_space<vmem>>
    %dma_wait3A_182 = arith.constant 0 : i32
    %dma_wait3A_183 = tpu.memref_slice %arg6[%dma_wait3A_176, %dma_wait3A_182] : memref<4x128xi32, #tpu.memory_space<vmem>> -> memref<1x128xi32, #tpu.memory_space<vmem>>
    %dma_wait3A_184 = tpu.memref_squeeze %dma_wait3A_183 : memref<1x128xi32, #tpu.memory_space<vmem>> -> memref<128xi32, #tpu.memory_space<vmem>>
    %dma_wait3A_185 = arith.constant 0 : i32
    %dma_wait3A_186 = arith.constant 0 : i32
    %dma_wait3A_187 = tpu.memref_slice %arg2[%dma_wait3A_185, %dma_wait3A_186] : memref<1024x256xf32, #tpu.memory_space<hbm>> -> memref<1024x256xf32, #tpu.memory_space<hbm>>
    tpu.wait_indirect_dma semaphore(%arg7 : memref<!tpu.dma_semaphore, #tpu.memory_space<semaphore_mem>>) src(%dma_wait3A_187 : memref<1024x256xf32, #tpu.memory_space<hbm>>) dst(%dma_wait3A_181 : memref<128x256xf32, #tpu.memory_space<vmem>>)
    %add3A_188 = arith.constant 3 : i32
    %add3A_189 = arith.addi %mul3A_2, %add3A_188 : i32
    %dma_start3A_190 = arith.constant 1 : i32
    %dma_start3A_191 = arith.constant 0 : i32
    %dma_start3A_192 = arith.constant 0 : i32
    %dma_start3A_193 = tpu.memref_slice %arg5[%dma_start3A_190, %dma_start3A_191, %dma_start3A_192] : memref<2x128x256xf32, #tpu.memory_space<vmem>> -> memref<1x128x256xf32, #tpu.memory_space<vmem>>
    %dma_start3A_194 = tpu.memref_squeeze %dma_start3A_193 : memref<1x128x256xf32, #tpu.memory_space<vmem>> -> memref<128x256xf32, #tpu.memory_space<vmem>>
    %dma_start3A_195 = arith.constant 0 : i32
    %dma_start3A_196 = arith.constant 0 : i32
    %dma_start3A_197 = tpu.memref_slice %arg4[%add3A_189, %dma_start3A_195, %dma_start3A_196] : memref<128x128x256xf32, #tpu.memory_space<hbm>> -> memref<1x128x256xf32, #tpu.memory_space<hbm>>
    %dma_start3A_198 = tpu.memref_squeeze %dma_start3A_197 : memref<1x128x256xf32, #tpu.memory_space<hbm>> -> memref<128x256xf32, #tpu.memory_space<hbm>>
    %dma_start3A_199 = arith.constant 0 : i32
    %dma_start3A_200 = arith.constant 0 : i32
    %dma_start3A_201 = tpu.memref_slice %arg4[%add3A_189, %dma_start3A_199, %dma_start3A_200] : memref<128x128x256xf32, #tpu.memory_space<hbm>> -> memref<1x128x256xf32, #tpu.memory_space<hbm>>
    %dma_start3A_202 = tpu.memref_squeeze %dma_start3A_201 : memref<1x128x256xf32, #tpu.memory_space<hbm>> -> memref<128x256xf32, #tpu.memory_space<hbm>>
    %dma_start3A_203 = arith.constant 0 : i32
    %dma_start3A_204 = arith.constant 0 : i32
    %dma_start3A_205 = tpu.memref_slice %arg5[%dma_start3A_190, %dma_start3A_203, %dma_start3A_204] : memref<2x128x256xf32, #tpu.memory_space<vmem>> -> memref<1x128x256xf32, #tpu.memory_space<vmem>>
    %dma_start3A_206 = tpu.memref_squeeze %dma_start3A_205 : memref<1x128x256xf32, #tpu.memory_space<vmem>> -> memref<128x256xf32, #tpu.memory_space<vmem>>
    tpu.enqueue_dma source(%dma_start3A_206 : memref<128x256xf32, #tpu.memory_space<vmem>>) target(%dma_start3A_202 : memref<128x256xf32, #tpu.memory_space<hbm>>) target_semaphore(%arg8 : memref<!tpu.dma_semaphore, #tpu.memory_space<semaphore_mem>>)
    %dma_wait3A_207 = arith.constant 0 : i32
    %dma_wait3A_208 = arith.constant 0 : i32
    %dma_wait3A_209 = arith.constant 0 : i32
    %dma_wait3A_210 = tpu.memref_slice %arg5[%dma_wait3A_207, %dma_wait3A_208, %dma_wait3A_209] : memref<2x128x256xf32, #tpu.memory_space<vmem>> -> memref<1x128x256xf32, #tpu.memory_space<vmem>>
    %dma_wait3A_211 = tpu.memref_squeeze %dma_wait3A_210 : memref<1x128x256xf32, #tpu.memory_space<vmem>> -> memref<128x256xf32, #tpu.memory_space<vmem>>
    %dma_wait3A_212 = arith.constant 0 : i32
    %dma_wait3A_213 = arith.constant 0 : i32
    %dma_wait3A_214 = tpu.memref_slice %arg4[%add3A_158, %dma_wait3A_212, %dma_wait3A_213] : memref<128x128x256xf32, #tpu.memory_space<hbm>> -> memref<1x128x256xf32, #tpu.memory_space<hbm>>
    %dma_wait3A_215 = tpu.memref_squeeze %dma_wait3A_214 : memref<1x128x256xf32, #tpu.memory_space<hbm>> -> memref<128x256xf32, #tpu.memory_space<hbm>>
    %dma_wait3A_216 = arith.constant 0 : i32
    %dma_wait3A_217 = arith.constant 0 : i32
    %dma_wait3A_218 = tpu.memref_slice %arg4[%add3A_158, %dma_wait3A_216, %dma_wait3A_217] : memref<128x128x256xf32, #tpu.memory_space<hbm>> -> memref<1x128x256xf32, #tpu.memory_space<hbm>>
    %dma_wait3A_219 = tpu.memref_squeeze %dma_wait3A_218 : memref<1x128x256xf32, #tpu.memory_space<hbm>> -> memref<128x256xf32, #tpu.memory_space<hbm>>
    %dma_wait3A_220 = arith.constant 0 : i32
    %dma_wait3A_221 = arith.constant 0 : i32
    %dma_wait3A_222 = tpu.memref_slice %arg5[%dma_wait3A_207, %dma_wait3A_220, %dma_wait3A_221] : memref<2x128x256xf32, #tpu.memory_space<vmem>> -> memref<1x128x256xf32, #tpu.memory_space<vmem>>
    %dma_wait3A_223 = tpu.memref_squeeze %dma_wait3A_222 : memref<1x128x256xf32, #tpu.memory_space<vmem>> -> memref<128x256xf32, #tpu.memory_space<vmem>>
    tpu.wait_dma2 semaphore(%arg8 : memref<!tpu.dma_semaphore, #tpu.memory_space<semaphore_mem>>) src(%dma_wait3A_223 : memref<128x256xf32, #tpu.memory_space<vmem>>) dst(%dma_wait3A_219 : memref<128x256xf32, #tpu.memory_space<hbm>>)
    %dma_wait3A_224 = arith.constant 1 : i32
    %dma_wait3A_225 = arith.constant 0 : i32
    %dma_wait3A_226 = arith.constant 0 : i32
    %dma_wait3A_227 = tpu.memref_slice %arg5[%dma_wait3A_224, %dma_wait3A_225, %dma_wait3A_226] : memref<2x128x256xf32, #tpu.memory_space<vmem>> -> memref<1x128x256xf32, #tpu.memory_space<vmem>>
    %dma_wait3A_228 = tpu.memref_squeeze %dma_wait3A_227 : memref<1x128x256xf32, #tpu.memory_space<vmem>> -> memref<128x256xf32, #tpu.memory_space<vmem>>
    %dma_wait3A_229 = arith.constant 0 : i32
    %dma_wait3A_230 = arith.constant 0 : i32
    %dma_wait3A_231 = tpu.memref_slice %arg4[%add3A_189, %dma_wait3A_229, %dma_wait3A_230] : memref<128x128x256xf32, #tpu.memory_space<hbm>> -> memref<1x128x256xf32, #tpu.memory_space<hbm>>
    %dma_wait3A_232 = tpu.memref_squeeze %dma_wait3A_231 : memref<1x128x256xf32, #tpu.memory_space<hbm>> -> memref<128x256xf32, #tpu.memory_space<hbm>>
    %dma_wait3A_233 = arith.constant 0 : i32
    %dma_wait3A_234 = arith.constant 0 : i32
    %dma_wait3A_235 = tpu.memref_slice %arg4[%add3A_189, %dma_wait3A_233, %dma_wait3A_234] : memref<128x128x256xf32, #tpu.memory_space<hbm>> -> memref<1x128x256xf32, #tpu.memory_space<hbm>>
    %dma_wait3A_236 = tpu.memref_squeeze %dma_wait3A_235 : memref<1x128x256xf32, #tpu.memory_space<hbm>> -> memref<128x256xf32, #tpu.memory_space<hbm>>
    %dma_wait3A_237 = arith.constant 0 : i32
    %dma_wait3A_238 = arith.constant 0 : i32
    %dma_wait3A_239 = tpu.memref_slice %arg5[%dma_wait3A_224, %dma_wait3A_237, %dma_wait3A_238] : memref<2x128x256xf32, #tpu.memory_space<vmem>> -> memref<1x128x256xf32, #tpu.memory_space<vmem>>
    %dma_wait3A_240 = tpu.memref_squeeze %dma_wait3A_239 : memref<1x128x256xf32, #tpu.memory_space<vmem>> -> memref<128x256xf32, #tpu.memory_space<vmem>>
    tpu.wait_dma2 semaphore(%arg8 : memref<!tpu.dma_semaphore, #tpu.memory_space<semaphore_mem>>) src(%dma_wait3A_240 : memref<128x256xf32, #tpu.memory_space<vmem>>) dst(%dma_wait3A_236 : memref<128x256xf32, #tpu.memory_space<hbm>>)
    return
  }
}

module attributes {stable_mosaic.version = 14 : i64} {
  func.func @_tc_square_body(%arg0: i32, %arg1: memref<1024x128xf32, #tpu.memory_space<vmem>>, %arg2: memref<1024x128xf32, #tpu.memory_space<vmem>>) attributes {dimension_semantics = [#tpu.dimension_semantics<arbitrary>], iteration_bounds = array<i64: 16>, scalar_prefetch = 0 : i64, scratch_operands = 0 : i64, tpu.core_type = #tpu.core_type<tc>, window_params = [{transform_indices = @transform_0, window_bounds = array<i64: 1024, 128>}, {transform_indices = @transform_1, window_bounds = array<i64: 1024, 128>}]} {
    %get3A = arith.constant 0 : index
    %get3A_0 = arith.constant 0 : index
    %get3A_1 = vector.load %arg1[%get3A, %get3A_0] : memref<1024x128xf32, #tpu.memory_space<vmem>>, vector<1024x128xf32>
    %mul3A = arith.mulf %get3A_1, %get3A_1 : vector<1024x128xf32>
    %swap3A = arith.constant 0 : index
    %swap3A_2 = arith.constant 0 : index
    %swap3A_3 = vector.load %arg2[%swap3A, %swap3A_2] : memref<1024x128xf32, #tpu.memory_space<vmem>>, vector<1024x128xf32>
    tpu.vector_store %arg2[%swap3A, %swap3A_2], %mul3A {strides = array<i32>} : memref<1024x128xf32, #tpu.memory_space<vmem>>, vector<1024x128xf32>,
    return
  }
  func.func @transform_0(%arg0: i32) -> (i32, i32) {
    %c0_i32 = arith.constant 0 : i32
    %c0_i32_0 = arith.constant 0 : i32
    return %arg0, %c0_i32 : i32, i32
  }
  func.func @transform_1(%arg0: i32) -> (i32, i32) {
    %c0_i32 = arith.constant 0 : i32
    %c0_i32_0 = arith.constant 0 : i32
    return %arg0, %c0_i32 : i32, i32
  }
}

module attributes {stable_mosaic.version = 14 : i64} {
  func.func @_tc_finalize_body(%arg0: memref<2x1024x128xf32, #tpu.memory_space<vmem>>, %arg1: memref<2x1024x128xf32, #tpu.memory_space<vmem>>, %arg2: memref<2x1024x16xf32, #tpu.memory_space<vmem>>, %arg3: memref<1024x256xf32, #tpu.memory_space<vmem>>) attributes {dimension_semantics = [], scalar_prefetch = 0 : i64, scratch_operands = 0 : i64, tpu.core_type = #tpu.core_type<tc>} {
    %get3A = arith.constant 0 : index
    %get3A_0 = arith.constant 0 : index
    %get3A_1 = arith.constant 0 : index
    %get3A_2 = vector.load %arg0[%get3A, %get3A_0, %get3A_1] : memref<2x1024x128xf32, #tpu.memory_space<vmem>>, vector<1x1024x128xf32>
    %get3A_3 = vector.shape_cast %get3A_2 : vector<1x1024x128xf32> to vector<1024x128xf32>
    %get3A_4 = arith.constant 1 : index
    %get3A_5 = arith.constant 0 : index
    %get3A_6 = arith.constant 0 : index
    %get3A_7 = vector.load %arg0[%get3A_4, %get3A_5, %get3A_6] : memref<2x1024x128xf32, #tpu.memory_space<vmem>>, vector<1x1024x128xf32>
    %get3A_8 = vector.shape_cast %get3A_7 : vector<1x1024x128xf32> to vector<1024x128xf32>
    %add3A = arith.addf %get3A_3, %get3A_8 : vector<1024x128xf32>
    %get3A_9 = arith.constant 0 : index
    %get3A_10 = arith.constant 0 : index
    %get3A_11 = arith.constant 0 : index
    %get3A_12 = vector.load %arg1[%get3A_9, %get3A_10, %get3A_11] : memref<2x1024x128xf32, #tpu.memory_space<vmem>>, vector<1x1024x128xf32>
    %get3A_13 = vector.shape_cast %get3A_12 : vector<1x1024x128xf32> to vector<1024x128xf32>
    %get3A_14 = arith.constant 1 : index
    %get3A_15 = arith.constant 0 : index
    %get3A_16 = arith.constant 0 : index
    %get3A_17 = vector.load %arg1[%get3A_14, %get3A_15, %get3A_16] : memref<2x1024x128xf32, #tpu.memory_space<vmem>>, vector<1x1024x128xf32>
    %get3A_18 = vector.shape_cast %get3A_17 : vector<1x1024x128xf32> to vector<1024x128xf32>
    %add3A_19 = arith.addf %get3A_13, %get3A_18 : vector<1024x128xf32>
    %get3A_20 = arith.constant 0 : index
    %get3A_21 = arith.constant 0 : index
    %get3A_22 = arith.constant 0 : index
    %get3A_23 = vector.load %arg2[%get3A_20, %get3A_21, %get3A_22] : memref<2x1024x16xf32, #tpu.memory_space<vmem>>, vector<1x1024x1xf32>
    %get3A_24 = vector.shape_cast %get3A_23 : vector<1x1024x1xf32> to vector<1024x1xf32>
    %get3A_25 = arith.constant 1 : index
    %get3A_26 = arith.constant 0 : index
    %get3A_27 = arith.constant 0 : index
    %get3A_28 = vector.load %arg2[%get3A_25, %get3A_26, %get3A_27] : memref<2x1024x16xf32, #tpu.memory_space<vmem>>, vector<1x1024x1xf32>
    %get3A_29 = vector.shape_cast %get3A_28 : vector<1x1024x1xf32> to vector<1024x1xf32>
    %add3A_30 = arith.addf %get3A_24, %get3A_29 : vector<1024x1xf32>
    %div3A = vector.broadcast %add3A_30 : vector<1024x1xf32> to vector<1024x128xf32>
    %div3A_31 = arith.divf %add3A, %div3A : vector<1024x128xf32>
    %mul3A = vector.broadcast %add3A_30 : vector<1024x1xf32> to vector<1024x128xf32>
    %mul3A_32 = arith.mulf %mul3A, %div3A_31 : vector<1024x128xf32>
    %mul3A_33 = arith.mulf %mul3A_32, %div3A_31 : vector<1024x128xf32>
    %sub3A = arith.subf %add3A_19, %mul3A_33 : vector<1024x128xf32>
    %sub3A_34 = arith.constant 1.000000e+00 : f32
    %sub3A_35 = vector.broadcast %sub3A_34 : f32 to vector<1024x1xf32>
    %sub3A_36 = arith.subf %add3A_30, %sub3A_35 : vector<1024x1xf32>
    %div3A_37 = vector.broadcast %sub3A_36 : vector<1024x1xf32> to vector<1024x128xf32>
    %div3A_38 = arith.divf %sub3A, %div3A_37 : vector<1024x128xf32>
    %max3A = arith.constant 0.000000e+00 : f32
    %max3A_39 = vector.broadcast %max3A : f32 to vector<1024x128xf32>
    %max3A_40 = arith.maximumf %div3A_38, %max3A_39 : vector<1024x128xf32>
    %sqrt3A = math.sqrt %max3A_40 : vector<1024x128xf32>
    %swap3A = arith.constant 0 : index
    %swap3A_41 = arith.constant 0 : index
    %swap3A_42 = vector.load %arg3[%swap3A, %swap3A_41] : memref<1024x256xf32, #tpu.memory_space<vmem>>, vector<1024x128xf32>
    tpu.vector_store %arg3[%swap3A, %swap3A_41], %div3A_31 {strides = array<i32>} : memref<1024x256xf32, #tpu.memory_space<vmem>>, vector<1024x128xf32>,
    %swap3A_43 = arith.constant 0 : index
    %swap3A_44 = arith.constant 128 : index
    %swap3A_45 = vector.load %arg3[%swap3A_43, %swap3A_44] : memref<1024x256xf32, #tpu.memory_space<vmem>>, vector<1024x128xf32>
    tpu.vector_store %arg3[%swap3A_43, %swap3A_44], %sqrt3A {strides = array<i32>} : memref<1024x256xf32, #tpu.memory_space<vmem>>, vector<1024x128xf32>,
    return
  }
}

module attributes {stable_mosaic.version = 14 : i64} {
  func.func @_tc_combine_body(%arg0: i32, %arg1: memref<1024x128xf32, #tpu.memory_space<vmem>>, %arg2: memref<1024x128xf32, #tpu.memory_space<vmem>>, %arg3: memref<1024x256xf32, #tpu.memory_space<vmem>>, %arg4: memref<1024x128xf32, #tpu.memory_space<vmem>>) attributes {dimension_semantics = [#tpu.dimension_semantics<arbitrary>], iteration_bounds = array<i64: 16>, scalar_prefetch = 0 : i64, scratch_operands = 0 : i64, tpu.core_type = #tpu.core_type<tc>, window_params = [{transform_indices = @transform_0, window_bounds = array<i64: 1024, 128>}, {transform_indices = @transform_1, window_bounds = array<i64: 1024, 128>}, {transform_indices = @transform_2, window_bounds = array<i64: 1024, 256>}, {transform_indices = @transform_3, window_bounds = array<i64: 1024, 128>}]} {
    %get3A = arith.constant 0 : index
    %get3A_0 = arith.constant 0 : index
    %get3A_1 = vector.load %arg3[%get3A, %get3A_0] : memref<1024x256xf32, #tpu.memory_space<vmem>>, vector<1024x256xf32>
    %slice3A = vector.extract_strided_slice %get3A_1 {offsets = [0, 0], sizes = [1024, 128], strides = [1, 1]} : vector<1024x256xf32> to vector<1024x128xf32>
    %slice3A_2 = vector.extract_strided_slice %get3A_1 {offsets = [0, 128], sizes = [1024, 128], strides = [1, 1]} : vector<1024x256xf32> to vector<1024x128xf32>
    %get3A_3 = arith.constant 0 : index
    %get3A_4 = arith.constant 0 : index
    %get3A_5 = vector.load %arg2[%get3A_3, %get3A_4] : memref<1024x128xf32, #tpu.memory_space<vmem>>, vector<1024x128xf32>
    %mul3A = arith.mulf %slice3A_2, %get3A_5 : vector<1024x128xf32>
    %add3A = arith.addf %slice3A, %mul3A : vector<1024x128xf32>
    %get3A_6 = arith.constant 0 : index
    %get3A_7 = arith.constant 0 : index
    %get3A_8 = vector.load %arg1[%get3A_6, %get3A_7] : memref<1024x128xf32, #tpu.memory_space<vmem>>, vector<1024x128xf32>
    %mul3A_9 = arith.constant 0.699999988 : f32
    %mul3A_10 = vector.broadcast %mul3A_9 : f32 to vector<1024x128xf32>
    %mul3A_11 = arith.mulf %mul3A_10, %get3A_8 : vector<1024x128xf32>
    %mul3A_12 = arith.constant 3.000000e-01 : f32
    %mul3A_13 = vector.broadcast %mul3A_12 : f32 to vector<1024x128xf32>
    %mul3A_14 = arith.mulf %mul3A_13, %add3A : vector<1024x128xf32>
    %add3A_15 = arith.addf %mul3A_11, %mul3A_14 : vector<1024x128xf32>
    %swap3A = arith.constant 0 : index
    %swap3A_16 = arith.constant 0 : index
    %swap3A_17 = vector.load %arg4[%swap3A, %swap3A_16] : memref<1024x128xf32, #tpu.memory_space<vmem>>, vector<1024x128xf32>
    tpu.vector_store %arg4[%swap3A, %swap3A_16], %add3A_15 {strides = array<i32>} : memref<1024x128xf32, #tpu.memory_space<vmem>>, vector<1024x128xf32>,
    return
  }
  func.func @transform_0(%arg0: i32) -> (i32, i32) {
    %c0_i32 = arith.constant 0 : i32
    %c0_i32_0 = arith.constant 0 : i32
    return %arg0, %c0_i32 : i32, i32
  }
  func.func @transform_1(%arg0: i32) -> (i32, i32) {
    %c0_i32 = arith.constant 0 : i32
    %c0_i32_0 = arith.constant 0 : i32
    return %arg0, %c0_i32 : i32, i32
  }
  func.func @transform_2(%arg0: i32) -> (i32, i32) {
    %c0_i32 = arith.constant 0 : i32
    %c0_i32_0 = arith.constant 0 : i32
    return %arg0, %c0_i32 : i32, i32
  }
  func.func @transform_3(%arg0: i32) -> (i32, i32) {
    %c0_i32 = arith.constant 0 : i32
    %c0_i32_0 = arith.constant 0 : i32
    return %arg0, %c0_i32 : i32, i32
  }
}

</mosaic_0001>

<sc_bundles>
// kernel: gather_offload_async_start
scs
__scs_entry_jumppad:
0x0: {  	(pc) =	sbr.rel $0x88, $3  }
0x1: {  	(tag) =	ssettag $0x0;
	lr =	simm.s32 $0x1  }
0x2: {  	[smem:$0x3F9F] =	sst lr;
	_ =	strace $0xD0000000  }
0x3: {  	_ = 	snop  }
0x4: {  	_ = 	snop  }
0x5: {  	_ = 	snop  }
0x6: {  	_ = 	snop  }
0x7: {  	_ = 	snop  }
__scs_overlays_trampoline_lowered:
0x8: {  	[smem:$0x3FAE] =	sst s0  }
0x9: {  	[smem:$0x3FAF] =	sst s1  }
0xa: {  	[smem:$0x3FB0] =	sst s2  }
0xb: {  	[smem:$0x3FB1] =	sst s3  }
0xc: {  	[smem:$0x3FB2] =	sst s4  }
0xd: {  	[smem:$0x3FB3] =	sst s5  }
0xe: {  	[smem:$0x3FB4] =	sst s6  }
0xf: {  	[smem:$0x3FB5] =	sst s7  }
0x10: {  	[smem:$0x3FB6] =	sst s8  }
0x11: {  	[smem:$0x3FB7] =	sst s9;
	s0 =	simm.s32 @!p0 $0x0  }
0x12: {  	s1 =	sld [smem:$0x3F9D];
	s0 =	simm.s32 @p0 $0x1  }
0x13: {  	[smem:$0x3FB8] =	sst s0;
	s0 =	simm.s32 @!p1 $0x0  }
0x14: {  	s2 =	sld [smem:$0x3F9C];
	s0 =	simm.s32 @p1 $0x1  }
0x15: {  	[smem:$0x3FB9] =	sst s0;
	s0 =	simm.s32 @!p2 $0x0  }
0x16: {  	s3 =	sld [smem:$0x3FDB];
	s0 =	simm.s32 @p2 $0x1  }
0x17: {  	s4 =	simm.s32 $0x1BF5;
	[smem:$0x3FBB] =	sst s0  }
0x18: {  	s0 =	sld [smem:$0x3F9E];
	_ =	swait.ge [sflag:s4], $0x0  }
0x19: {  	s7 =	sld [smem:$0x3F9F]  }
0x1a: {  	s8 =	sadd.s32 $0xFFFFE003, lr  }
0x1b: {  	s9 =	sadd.s32 $0xFFFFFEF7, lr;
	s5 =	simm.s32 $0xFFFFFFFF;
	p2 =	slt.u32 s8, $0xFFFFF086  }
0x1c: {  	p1 =	slt.u32 s9, $0xF7A;
	s5 =	simm.s32 @!p2 $0x0  }
0x1d: {  	s5 =	simm.s32 @p1 $0x1;
	p0 =	seq.s32 s7, s2  }
0x1e: {  	s7 =	smul.u32 @!p0 $0xF7A, s2;
	p2 =	seq.s32 @!p0 s5, $0x0  }
0x1f: {  	s9 =	smul.u32 $0xF7A, s1;
	s8 =	simm.s32 @!p0 $0x1BF5;
	p2 =	por !p2, p0  }
0x20: {  	[sflag:s8] =	ssyncset.s32 @!p0 $0xFFFFF086;
	s6 =	sadd.s32 @!p0 s3, s7;
	s7 =	simm.s32 @!p0 $0x108  }
0x21: {  	s3 =	sadd.s32 s3, s9;
	s6 =	sadd.s32 @!p0 $0x88, s6;
	s7 =	simm.s32 @p2 $0x1082  }
0x22: {  	[simem:s7], [sflag:s8] =	dma.local @!p0 [hbm:s6], $0xF7A  }
0x23: {  	s9 =	sor.u32 $0xD0000000, s2;
	s6 =	simm.s32 $0x108;
	_ =	swait.ge @!p0 [sflag:s8], $0x0  }
0x24: {  	s3 =	sadd.s32 $0x88, s3;
	s6 =	simm.s32 @!p1 $0x1082;
	[sflag:s4] =	ssyncset.s32 $0xFFFFF086  }
0x25: {  	[simem:s6], [sflag:s4] =	dma.local [hbm:s3], $0xF7A  }
0x26: {  	[smem:$0x3F9F] =	sst s1;
	(tag) =	ssettag s2;
	_ =	strace s9  }
0x27: {  	s1 =	sld [smem:$0x3FAF]  }
0x28: {  	s2 =	sld [smem:$0x3FB0]  }
0x29: {  	s4 =	sld [smem:$0x3FB2]  }
0x2a: {  	p0 =	seq.s32 s5, $0x0;
	s5 =	sld [smem:$0x3FB3]  }
0x2b: {  	s6 =	sld [smem:$0x3FB4]  }
0x2c: {  	s7 =	sld [smem:$0x3FB5]  }
0x2d: {  	s3 =	simm.s32 $0x108;
	s8 =	sld [smem:$0x3FB6]  }
0x2e: {  	s3 =	simm.s32 @!p0 $0x1082;
	s9 =	sld [smem:$0x3FB7]  }
0x2f: {  	lr =	sadd.s32 s0, s3;
	s0 =	sld [smem:$0x3FAE]  }
0x30: {  	s3 =	sld [smem:$0x3FB1]  }
0x31: {  	[smem:$0x3FBA] =	sst s10  }
0x32: {  	s10 =	sld [smem:$0x3FB8];
	_ =	sdelay $0x3  }
0x33: {  	p0 =	seq.s32 s10, $0x1;
	s10 =	sld [smem:$0x3FBA];
	_ =	sdelay $0x3  }
0x34: {  	[smem:$0x3FBA] =	sst s10  }
0x35: {  	s10 =	sld [smem:$0x3FB9];
	_ =	sdelay $0x3  }
0x36: {  	p1 =	seq.s32 s10, $0x1;
	s10 =	sld [smem:$0x3FBA];
	_ =	sdelay $0x3  }
0x37: {  	[smem:$0x3FBA] =	sst s10  }
0x38: {  	s10 =	sld [smem:$0x3FBB]  }
0x39: {  	_ = 	snop;
	(pc) =	sbr.ind lr, $3  }
0x3a: {  	_ = 	snop  }
0x3b: {  	_ = 	snop  }
0x3c: {  	p2 =	seq.s32 s10, $0x1;
	s10 =	sld [smem:$0x3FBA]  }
0x3d: {  	_ =	shalt  }
0x3e: {  	_ =	shalt  }
0x3f: {  	_ =	shalt  }
0x40: {  	_ =	shalt  }
0x41: {  	_ =	shalt  }
0x42: {  	_ =	shalt  }
0x43: {  	_ =	shalt  }
0x44: {  	_ =	shalt  }
0x45: {  	_ =	shalt  }
0x46: {  	_ =	shalt  }
0x47: {  	_ =	shalt  }
0x48: {  	_ =	shalt  }
0x49: {  	_ =	shalt  }
0x4a: {  	_ =	shalt  }
0x4b: {  	_ =	shalt  }
0x4c: {  	_ =	shalt  }
0x4d: {  	_ =	shalt  }
0x4e: {  	_ =	shalt  }
0x4f: {  	_ =	shalt  }
0x50: {  	_ =	shalt  }
0x51: {  	_ =	shalt  }
0x52: {  	_ =	shalt  }
0x53: {  	_ =	shalt  }
0x54: {  	_ =	shalt  }
0x55: {  	_ =	shalt  }
0x56: {  	_ =	shalt  }
0x57: {  	_ =	shalt  }
0x58: {  	_ =	shalt  }
0x59: {  	_ =	shalt  }
0x5a: {  	_ =	shalt  }
0x5b: {  	_ =	shalt  }
0x5c: {  	_ =	shalt  }
0x5d: {  	_ =	shalt  }
0x5e: {  	_ =	shalt  }
0x5f: {  	_ =	shalt  }
0x60: {  	_ =	shalt  }
0x61: {  	_ =	shalt  }
0x62: {  	_ =	shalt  }
0x63: {  	_ =	shalt  }
0x64: {  	_ =	shalt  }
0x65: {  	_ =	shalt  }
0x66: {  	_ =	shalt  }
0x67: {  	_ =	shalt  }
0x68: {  	_ =	shalt  }
0x69: {  	_ =	shalt  }
0x6a: {  	_ =	shalt  }
0x6b: {  	_ =	shalt  }
0x6c: {  	_ =	shalt  }
0x6d: {  	_ =	shalt  }
0x6e: {  	_ =	shalt  }
0x6f: {  	_ =	shalt  }
0x70: {  	_ =	shalt  }
0x71: {  	_ =	shalt  }
0x72: {  	_ =	shalt  }
0x73: {  	_ =	shalt  }
0x74: {  	_ =	shalt  }
0x75: {  	_ =	shalt  }
0x76: {  	_ =	shalt  }
0x77: {  	_ =	shalt  }
0x78: {  	_ =	shalt  }
0x79: {  	_ =	shalt  }
0x7a: {  	_ =	shalt  }
0x7b: {  	_ =	shalt  }
0x7c: {  	_ =	shalt  }
0x7d: {  	_ =	shalt  }
0x7e: {  	_ =	shalt  }
0x7f: {  	_ =	shalt  }
0x80: {  	_ =	shalt  }
0x81: {  	_ =	shalt  }
0x82: {  	_ =	shalt  }
0x83: {  	_ =	shalt  }
0x84: {  	_ =	shalt  }
0x85: {  	_ =	shalt  }
0x86: {  	_ =	shalt  }
0x87: {  	_ =	shalt  }
.Lfunc_end0:
.L_simem_size_0:
called_computation_lowered:
.L_overlay_start_0:
0x88: {  	s2 =	sld [smem:$0x3FD9]  }
0x89: {  	s3 =	sld [smem:$0x3FFE];
	_ =	sdelay $0x1  }
0x8a: {  	s1 =	srdreg.scid  }
0x8b: {  	s0 =	sand.u32 $0x1, s1  }
0x8c: {  	s14 =	sshll.u32 s0, $0xA;
	s2 =	sadd.s32 s3, s2  }
0x8d: {  	s2 =	sadd.s32 s2, s14  }
0x8e: {  	[smem:$0x3FC6] =	sst s2  }
0x8f: {  	_ = 	snop  }
0x90: {  	s2 =	sld [smem:$0x3FD0];
	_ =	sdelay $0x2  }
0x91: {  	s4 =	simm.s32 $0xB;
	s5 =	simm.s32 $0x10;
	s15 =	sld [smem:$0x3FC8]  }
0x92: {  	[smem:s5], [sflag:s4] =	dma.local [hbm:s2], $0x1  }
0x93: {  	_ =	swait.eq [sflag:s4], $0x1  }
0x94: {  	[sflag:s4] =	ssyncset.done $0x0  }
0x95: {  	[sflag:s4] =	ssyncadd.s32 $0xFFFFFFFF  }
0x96: {  	s16 =	sld [smem:$0x11];
	(tm) =	ssettm $0x1  }
0x97: {  	s17 =	sld [smem:$0x3FFB];
	_ =	sdelay $0x3  }
0x98: {  	_ =	strace s17  }
0x99: {  	s4 =	sld [smem:$0x3FFC];
	_ =	sdelay $0x3  }
0x9a: {  	_ =	strace s4  }
0x9b: {  	s4 =	sld [smem:$0x3FFD];
	_ =	sdelay $0x3  }
0x9c: {  	_ =	strace s4  }
0x9d: {  	_ =	strace $0x8FFFFFFF  }
0x9e: {  	s18 =	sld [smem:$0x3FDB];
	_ =	sdelay $0x1  }
0x9f: {  	s19 =	simm.s32 $_scs_section_size  }
0xa0: {  	s6 =	simm.s32 $_size__tile_overlayer_lowered;
	s7 =	simm.s32 $_tile_overlayer_lowered  }
0xa1: {  	s22 =	simm.s32 $0x1BFF;
	s21 =	sshll.u32 s7, $0x1;
	s4 =	sadd.s32 s19, s18  }
0xa2: {  	s8 =	simm.s32 $0x0;
	s20 =	sshll.u32 s6, $0x1;
	s6 =	sadd.s32 s21, s4  }
0xa3: {  	[timem:s8], [sflag:s22] =	dma.local [hbm:s6], s20  }
0xa4: {  	_ =	swait.ge [sflag:s22], s20  }
0xa5: {  	s5 =	ssub.s32 $0x0, s20;
	[sflag:s22] =	ssyncset.done $0x0  }
0xa6: {  	[sflag:s22] =	ssyncadd.s32 s5;
	_ =	sdelay $0x1  }
0xa7: {  	s23 =	simm.s32 $0x1B8B  }
0xa8: {  	_ =	swait.ge [sflag:s23], $0x1  }
0xa9: {  	[sflag:s23] =	ssyncset.done $0x0  }
0xaa: {  	s25 =	simm.s32 $0x1B8E;
	s24 =	sld [smem:$0x3FFE];
	[sflag:s23] =	ssyncadd.s32 $0xFFFFFFFF  }
0xab: {  	s26 =	simm.s32 $execute0_lowered;
	[smem:$0x3FD2] =	sst s25  }
0xac: {  	s6 =	sshll.u32 s26, $0x1;
	_ =	strace $0x80000046;
	[dreg:$0x1] =	wrdreg $0xFFFFFFFF  }
0xad: {  	s28 =	simm.s32 $_size_execute0_lowered;
	s4 =	sadd.s32 s4, s6;
	[dreg:$0x0] =	wrdreg $0x0  }
0xae: {  	s6 =	sshll.u32 s28, $0x1;
	[dreg:$0x2] =	wrdreg s4  }
0xaf: {  	[dreg:$0x3] =	wrdreg s6  }
0xb0: {  	[dreg:$0x4] =	wrdreg $0xC0  }
0xb1: {  	_ =	task [dreg:s8], $0x5FFFF  }
0xb2: {  	[dreg:$0x1] =	wrdreg $0xFFFFFFFF  }
0xb3: {  	[dreg:$0x0] =	wrdreg $0x60  }
0xb4: {  	[dreg:$0x2] =	wrdreg s15  }
0xb5: {  	[dreg:$0x3] =	wrdreg s16  }
0xb6: {  	[dreg:$0x4] =	wrdreg s24  }
0xb7: {  	[dreg:$0x5] =	wrdreg $0x9  }
0xb8: {  	_ =	task.clear_ibuf [dreg:s8], $0x6FFFF;
	_ =	strace $0x90000046  }
0xb9: {  	s29 =	simm.s32 $0x9;
	_ =	strace $0x80000048  }
0xba: {  	_ =	swait.ge [sflag:s29], $0x1  }
0xbb: {  	[sflag:s29] =	ssyncadd.s32 $0xFFFFFFFF  }
0xbc: {  	_ =	strace $0x90000048  }
0xbd: {  	_ =	sfence  }
0xbe: {  	s30 =	sld [smem:$0x0];
	_ =	sdelay $0x2  }
0xbf: {  	s31 =	sshll.u32 s1, $0xD;
	s1 =	sshrl.u32 s1, $0x2  }
0xc0: {  	s3 =	sand.u32 $0x4000, s31;
	s1 =	sadd.s32 s1, s30  }
0xc1: {  	s0 =	sor.u32 s3, s0;
	s1 =	sshll.u32 s1, $0x11  }
0xc2: {  	s0 =	sor.u32 s1, s0  }
0xc3: {  	s0 =	sadd.s32 $0x8F2B, s0  }
0xc4: {  	[sflag:s0] =	ssyncadd.remote.s32 $0x1  }
0xc5: {  	_ =	sfence.sel $0xFFFF  }
0xc6: {  	[dreg:$0x0] =	wrdreg $0xFFFFFFFF;
	(pc) =	sbr.abs _section_cstart, $3  }
0xc7: {  	[dreg:$0x1] =	wrdreg $0xFFFFFFFF  }
0xc8: {  	_ =	task.clear_ibuf [dreg:s8], $0x2FFFF;
	_ =	strace $0x9FFFFFFF  }
0xc9: {  	(tm) =	ssettm $0x7FFFFFFF  }
tec
execute0_lowered:
.L_overlay_start_1:
0x0: {  	(tag) =	ssettag $0x1  }
0x1: {  	s2 =	rddreg [dreg:$0x0]  }
0x2: {  	s1 =	srdreg.scid;
	s3 =	rddreg [dreg:$0x1]  }
0x3: {  	s0 =	stileid.u32;
	s5 =	rddreg [dreg:$0x2]  }
0x4: {  	s9 =	simm.s32 $0x1;
	s10 =	simm.s32 $0x3;
	s1 =	sshll.u32 s1, $0x8  }
0x5: {  	s13 =	simm.s32 $0x0;
	s4 =	sshll.u32 s0, $0x9;
	s6 =	sand.u32 $0x100, s1  }
0x6: {  	s12 =	simm.s32 $0x0;
	s5 =	sadd.s32 $0x2800, s5;
	s4 =	sor.u32 s4, s6  }
0x7: {  	s1 =	rddreg [dreg:$0x3];
	_ =	strace $0x80000047;
	s8 =	ssub.s32 $0x4000, s4  }
.Ltmp0:
0x8: {  	s6 =	simm.s32 $0x1;
	s7 =	sand.u32 $0x1F00, s8;
	(pc) =	sbr.rel .LBB2_1-.Ltmp0, $4  }
0x9: {  	[sflag:s6] =	ssyncpa.u1 $0x0;
	s11 =	smov.u32 s4;
	p0 =	sne.s32 s7, $0x0  }
0xa: {  	s8 =	sshrl.u32 s8, $0xD;
	s7 =	simm.s32 $0x2;
	s9 =	simm.s32 @!p0 $0x0  }
0xb: {  	[sflag:s7] =	ssyncpa.u1 $0x0;
	p0 =	por $0x0, $0x0;
	s8 =	sadd.s32 s9, s8  }
0xc: {  	vm0 =	vmmov $0xffff;
	[sflag:s10] =	ssyncpa.u1 $0x0;
	s10 =	simm.s32 $0x0;
	s9 =	sadd.s32 $0x1, s8  }
.LBB2_4:
0xd: {  	v2 =	vnsel vm1, $0x0, v2  }
0xe: {  	vm1 =	vgt.s32 v0, $0x0;
	v2 =	vmin.u32 v2, $0x3FFF  }
0xf: {  	v0 =	vnsel vm1, $0x0, v0  }
0x10: {  	v0 =	vmin.u32 v0, $0x3FFF  }
0x11: {  	[tilespmem:s15], [sflag:$0x1] =	stream.indirect_vreg.gather [hbm4b:s2+s10], $0x1, v1, vm0, $0x4038;
	[tilespmem:$0x400] =	vst v63  }
0x12: {  	(ifvalue) =	ssetifvalue $0x7FFFFFFF  }
0x13: {  	[tilespmem:s16], [sflag:$0x1] =	stream.indirect_vreg.gather [hbm4b:s2+s10], $0x1, v2, vm0, $0x4038;
	[tilespmem:$0x400] =	vst v63  }
0x14: {  	s29 =	sadd.s32 $0x10, s16;
	(ifvalue) =	ssetifvalue $0x7FFFFFFF  }
0x15: {  	[tilespmem:s29], [sflag:$0x1] =	stream.indirect_vreg.gather [hbm4b:s2+s10], $0x1, v0, vm0, $0x4038;
	[tilespmem:$0x400] =	vst v63  }
0x16: {  	_ =	swait.ge [sflag:s6], $0x100  }
0x17: {  	s30 =	sshrl.u32 s13, $0x3;
	[sflag:s6] =	ssyncset.done $0x0  }
0x18: {  	s31 =	sand.u32 $0x7, s13;
	s15 =	sadd.s32 s5, s30;
	[sflag:s6] =	ssyncadd.s32 $0xFFFFFF00  }
0x19: {  	[hbm4b:s15+s31] =	stream.linear.scatter [tilespmem:s14], [sflag:$0x3], $0x100, $0x38;
	[tilespmem:$0x400] =	vst v63  }
.LBB2_5:
0x1a: {  	s15 =	sadd.s32 $0x2000, s11  }
0x1b: {  	p2 =	sgt.s32 s15, $0x3FFF  }
0x1c: {  	s15 =	smov.u32 @p2 s4;
	p2 =	sne.s32 s12, s9  }
.Ltmp1:
0x1d: {  	p1 =	slt.u32 s12, $0x2;
	(pc) =	sbr.rel @!p2 .LBB2_6-.Ltmp1, $4  }
0x1e: {  	s14 =	simm.s32 @!p1 $0x3  }
0x1f: {  	s16 =	sadd.s32 $0x1, s12;
	_ =	swait.ge @!p1 [sflag:s14], $0x100  }
0x20: {  	s13 =	smov.u32 s11;
	p0 =	por !p0, !p0;
	[sflag:s14] =	ssyncset.done @!p1 $0x0  }
0x21: {  	s12 =	smov.u32 s16;
	s11 =	smov.u32 s15;
	[sflag:s14] =	ssyncadd.s32 @!p1 $0xFFFFFF00  }
.LBB2_1:
0x22: {  	p1 =	sge.u32 s12, s8  }
0x23: {  	s14 =	sxor.u32 @!p1 $0xFFFFFFFF, s12  }
0x24: {  	s31 =	sadd.s32 $0xFFFFFFFF, s12;
	s15 =	sshrl.u32 @!p1 s11, $0x3;
	s14 =	sshll.u32 @!p1 s14, $0x8  }
0x25: {  	s16 =	sand.u32 @!p1 $0x7, s11;
	s15 =	sadd.s32 @!p1 s3, s15;
	s14 =	sand.u32 @!p1 $0x100, s14  }
0x26: {  	[tilespmem:s14], [sflag:$0x2] =	stream.linear.gather @!p1 [hbm4b:s15+s16], $0x100, $0x38;
	[tilespmem:$0x400] =	vst v63  }
0x27: {  	p1 =	sge.u32 s31, s8  }
.Ltmp2:
0x28: {  	_ = 	snop;
	(pc) =	sbr.rel @p1 .LBB2_5-.Ltmp2, $1  }
0x29: {  	_ =	sdelay $0x3  }
0x2a: {  	s14 =	simm.s32 $0x1  }
0x2b: {  	_ =	swait.ge [sflag:s7], $0x100;
	s14 =	simm.s32 @!p0 $0x0  }
0x2c: {  	[sflag:s7] =	ssyncset.done $0x0;
	s14 =	sshll.u32 s14, $0x8  }
0x2d: {  	[sflag:s7] =	ssyncadd.s32 $0xFFFFFF00;
	(ifvalue) =	ssetifvalue $0x7FFFFFFF;
	v0 =	vld.msk [tilespmem:s14+$0x0 ss:$0x1], $0xffff;
	_ =	sdelay $0x4  }
0x2e: {  	s15 =	sadd.s32 $0x10, s14;
	vm1 =	vgt.s32 v0, $0x0  }
0x2f: {  	v2 =	vld.msk [tilespmem:s15+$0x0 ss:$0x1], $0xffff;
	v1 =	vnsel vm1, $0x0, v0  }
0x30: {  	v1 =	vmin.u32 v1, $0x3FFF;
	_ =	sdelay $0x1  }
0x31: {  	s16 =	sshll.u32 s12, $0x8;
	s18 =	simm.s32 $0x20  }
0x32: {  	s16 =	sand.u32 $0x100, s16;
	s17 =	sadd.s32 $0x10, s15;
	s15 =	sor.u32 $0x200, s14  }
0x33: {  	s14 =	sor.u32 $0x200, s16;
	s16 =	sadd.s32 $0x10, s15;
	v0 =	vld.msk [tilespmem:s17+$0x0 ss:$0x1], $0xffff;
	vm1 =	vgt.s32 v2, $0x0;
	(ifvalue) =	ssetifvalue $0x7FFFFFFF  }
.LBB2_3:
0x34: {  	[tilespmem:s15], [sflag:$0x1] =	stream.indirect_vreg.gather [hbm4b:s2+s10], $0x1, v1, vm0, $0x4038;
	[tilespmem:$0x400] =	vst v63  }
0x35: {  	s18 =	sadd.s32 $0x10, s18  }
0x36: {  	v2 =	vnsel vm1, $0x0, v2;
	p1 =	slt.u32 s18, $0xF0  }
.Ltmp3:
0x37: {  	s15 =	smov.u32 s16;
	v1 =	vmin.u32 v2, $0x3FFF;
	(pc) =	sbr.rel @p1 .LBB2_3-.Ltmp3, $3  }
0x38: {  	_ =	sdelay $0x1  }
0x39: {  	s17 =	sadd.s32 $0x10, s17  }
0x3a: {  	vm1 =	vgt.s32 v0, $0x0;
	s16 =	sadd.s32 $0x10, s16;
	v2 =	vmov v0;
	(ifvalue) =	ssetifvalue $0x7FFFFFFF;
	v0 =	vld.msk [tilespmem:s17+$0x0 ss:$0x1], $0xffff  }
.Ltmp4:
0x3b: {  	_ = 	snop;
	(pc) =	sbr.rel .LBB2_4-.Ltmp4, $1  }
0x3c: {  	_ =	sdelay $0x3  }
.LBB2_6:
0x3d: {  	_ =	sfence.sel $0x180000  }
0x3e: {  	s2 =	simm.s32 $0x2;
	[bflag:$0x0] =	sbarrier.arrive $0xFFFF  }
0x3f: {  	s30 =	simm.s32 $0x3;
	[sflag:s2] =	ssyncpa.u1 $0x1  }
0x40: {  	s31 =	simm.s32 $0x1;
	[sflag:s30] =	ssyncpa.u1 $0x1  }
0x41: {  	[sflag:s31] =	ssyncpa.u1 $0x1  }
0x42: {  	p0 =	sne.s32 s0, $0x0;
	_ =	strace $0x90000047  }
0x43: {  	s0 =	sadd.s32 @!p0 $0x100000, s1;
	[bflag:$0x2] =	sbarrier.arrive $0xFFFF  }
0x44: {  	[sflag:s0] =	ssyncadd.tile.s32 @!p0 $0x1;
	_ =	shalt  }
.Lfunc_end2:
_tile_overlayer_lowered:
.L_overlay_start_2:
0x45: {  	(tag) =	ssettag $0x2  }
0x46: {  	s0 =	rddreg [dreg:$0x0];
	s2 =	stileid.u32  }
0x47: {  	s1 =	rddreg [dreg:$0x1];
	p0 =	sne.s32 s2, $0x0  }
0x48: {  	s3 =	rddreg [dreg:$0x2];
	[bflag:$0x3] =	sbarrier.arrive $0xFFFF;
	s2 =	simm.s32 @!p0 $0x1C01  }
0x49: {  	[timem:s3], [sflag:s2] =	dma.local @!p0 [hbm:s0], s1  }
0x4a: {  	s0 =	simm.s32 @!p0 $0x1  }
0x4b: {  	_ =	swait.ge @!p0 [sflag:s0], s1  }
0x4c: {  	s1 =	ssub.s32 @!p0 $0x0, s1;
	[sflag:s0] =	ssyncset.done @!p0 $0x0  }
0x4d: {  	[sflag:s0] =	ssyncadd.s32 @!p0 s1  }
0x4e: {  	[bflag:$0x3] =	sbarrier.arrive $0xFFFF  }
0x4f: {  	_ =	shalt  }

// kernel: kernel.10.cloned.1.call-start
scs
__scs_entry_jumppad:
0x0: {  	(pc) =	sbr.rel $0x88, $3  }
0x1: {  	(tag) =	ssettag $0x0;
	lr =	simm.s32 $0x1  }
0x2: {  	[smem:$0x3F9F] =	sst lr;
	_ =	strace $0xD0000000  }
0x3: {  	_ = 	snop  }
0x4: {  	_ = 	snop  }
0x5: {  	_ = 	snop  }
0x6: {  	_ = 	snop  }
0x7: {  	_ = 	snop  }
__scs_overlays_trampoline_lowered:
0x8: {  	[smem:$0x3FAE] =	sst s0  }
0x9: {  	[smem:$0x3FAF] =	sst s1  }
0xa: {  	[smem:$0x3FB0] =	sst s2  }
0xb: {  	[smem:$0x3FB1] =	sst s3  }
0xc: {  	[smem:$0x3FB2] =	sst s4  }
0xd: {  	[smem:$0x3FB3] =	sst s5  }
0xe: {  	[smem:$0x3FB4] =	sst s6  }
0xf: {  	[smem:$0x3FB5] =	sst s7  }
0x10: {  	[smem:$0x3FB6] =	sst s8  }
0x11: {  	[smem:$0x3FB7] =	sst s9;
	s0 =	simm.s32 @!p0 $0x0  }
0x12: {  	s1 =	sld [smem:$0x3F9D];
	s0 =	simm.s32 @p0 $0x1  }
0x13: {  	[smem:$0x3FB8] =	sst s0;
	s0 =	simm.s32 @!p1 $0x0  }
0x14: {  	s2 =	sld [smem:$0x3F9C];
	s0 =	simm.s32 @p1 $0x1  }
0x15: {  	[smem:$0x3FB9] =	sst s0;
	s0 =	simm.s32 @!p2 $0x0  }
0x16: {  	s3 =	sld [smem:$0x3FDB];
	s0 =	simm.s32 @p2 $0x1  }
0x17: {  	s4 =	simm.s32 $0x1BF5;
	[smem:$0x3FBB] =	sst s0  }
0x18: {  	s0 =	sld [smem:$0x3F9E];
	_ =	swait.ge [sflag:s4], $0x0  }
0x19: {  	s7 =	sld [smem:$0x3F9F]  }
0x1a: {  	s8 =	sadd.s32 $0xFFFFE003, lr  }
0x1b: {  	s9 =	sadd.s32 $0xFFFFFEF7, lr;
	s5 =	simm.s32 $0xFFFFFFFF;
	p2 =	slt.u32 s8, $0xFFFFF086  }
0x1c: {  	p1 =	slt.u32 s9, $0xF7A;
	s5 =	simm.s32 @!p2 $0x0  }
0x1d: {  	s5 =	simm.s32 @p1 $0x1;
	p0 =	seq.s32 s7, s2  }
0x1e: {  	s7 =	smul.u32 @!p0 $0xF7A, s2;
	p2 =	seq.s32 @!p0 s5, $0x0  }
0x1f: {  	s9 =	smul.u32 $0xF7A, s1;
	s8 =	simm.s32 @!p0 $0x1BF5;
	p2 =	por !p2, p0  }
0x20: {  	[sflag:s8] =	ssyncset.s32 @!p0 $0xFFFFF086;
	s6 =	sadd.s32 @!p0 s3, s7;
	s7 =	simm.s32 @!p0 $0x108  }
0x21: {  	s3 =	sadd.s32 s3, s9;
	s6 =	sadd.s32 @!p0 $0x88, s6;
	s7 =	simm.s32 @p2 $0x1082  }
0x22: {  	[simem:s7], [sflag:s8] =	dma.local @!p0 [hbm:s6], $0xF7A  }
0x23: {  	s9 =	sor.u32 $0xD0000000, s2;
	s6 =	simm.s32 $0x108;
	_ =	swait.ge @!p0 [sflag:s8], $0x0  }
0x24: {  	s3 =	sadd.s32 $0x88, s3;
	s6 =	simm.s32 @!p1 $0x1082;
	[sflag:s4] =	ssyncset.s32 $0xFFFFF086  }
0x25: {  	[simem:s6], [sflag:s4] =	dma.local [hbm:s3], $0xF7A  }
0x26: {  	[smem:$0x3F9F] =	sst s1;
	(tag) =	ssettag s2;
	_ =	strace s9  }
0x27: {  	s1 =	sld [smem:$0x3FAF]  }
0x28: {  	s2 =	sld [smem:$0x3FB0]  }
0x29: {  	s4 =	sld [smem:$0x3FB2]  }
0x2a: {  	p0 =	seq.s32 s5, $0x0;
	s5 =	sld [smem:$0x3FB3]  }
0x2b: {  	s6 =	sld [smem:$0x3FB4]  }
0x2c: {  	s7 =	sld [smem:$0x3FB5]  }
0x2d: {  	s3 =	simm.s32 $0x108;
	s8 =	sld [smem:$0x3FB6]  }
0x2e: {  	s3 =	simm.s32 @!p0 $0x1082;
	s9 =	sld [smem:$0x3FB7]  }
0x2f: {  	lr =	sadd.s32 s0, s3;
	s0 =	sld [smem:$0x3FAE]  }
0x30: {  	s3 =	sld [smem:$0x3FB1]  }
0x31: {  	[smem:$0x3FBA] =	sst s10  }
0x32: {  	s10 =	sld [smem:$0x3FB8];
	_ =	sdelay $0x3  }
0x33: {  	p0 =	seq.s32 s10, $0x1;
	s10 =	sld [smem:$0x3FBA];
	_ =	sdelay $0x3  }
0x34: {  	[smem:$0x3FBA] =	sst s10  }
0x35: {  	s10 =	sld [smem:$0x3FB9];
	_ =	sdelay $0x3  }
0x36: {  	p1 =	seq.s32 s10, $0x1;
	s10 =	sld [smem:$0x3FBA];
	_ =	sdelay $0x3  }
0x37: {  	[smem:$0x3FBA] =	sst s10  }
0x38: {  	s10 =	sld [smem:$0x3FBB]  }
0x39: {  	_ = 	snop;
	(pc) =	sbr.ind lr, $3  }
0x3a: {  	_ = 	snop  }
0x3b: {  	_ = 	snop  }
0x3c: {  	p2 =	seq.s32 s10, $0x1;
	s10 =	sld [smem:$0x3FBA]  }
0x3d: {  	_ =	shalt  }
0x3e: {  	_ =	shalt  }
0x3f: {  	_ =	shalt  }
0x40: {  	_ =	shalt  }
0x41: {  	_ =	shalt  }
0x42: {  	_ =	shalt  }
0x43: {  	_ =	shalt  }
0x44: {  	_ =	shalt  }
0x45: {  	_ =	shalt  }
0x46: {  	_ =	shalt  }
0x47: {  	_ =	shalt  }
0x48: {  	_ =	shalt  }
0x49: {  	_ =	shalt  }
0x4a: {  	_ =	shalt  }
0x4b: {  	_ =	shalt  }
0x4c: {  	_ =	shalt  }
0x4d: {  	_ =	shalt  }
0x4e: {  	_ =	shalt  }
0x4f: {  	_ =	shalt  }
0x50: {  	_ =	shalt  }
0x51: {  	_ =	shalt  }
0x52: {  	_ =	shalt  }
0x53: {  	_ =	shalt  }
0x54: {  	_ =	shalt  }
0x55: {  	_ =	shalt  }
0x56: {  	_ =	shalt  }
0x57: {  	_ =	shalt  }
0x58: {  	_ =	shalt  }
0x59: {  	_ =	shalt  }
0x5a: {  	_ =	shalt  }
0x5b: {  	_ =	shalt  }
0x5c: {  	_ =	shalt  }
0x5d: {  	_ =	shalt  }
0x5e: {  	_ =	shalt  }
0x5f: {  	_ =	shalt  }
0x60: {  	_ =	shalt  }
0x61: {  	_ =	shalt  }
0x62: {  	_ =	shalt  }
0x63: {  	_ =	shalt  }
0x64: {  	_ =	shalt  }
0x65: {  	_ =	shalt  }
0x66: {  	_ =	shalt  }
0x67: {  	_ =	shalt  }
0x68: {  	_ =	shalt  }
0x69: {  	_ =	shalt  }
0x6a: {  	_ =	shalt  }
0x6b: {  	_ =	shalt  }
0x6c: {  	_ =	shalt  }
0x6d: {  	_ =	shalt  }
0x6e: {  	_ =	shalt  }
0x6f: {  	_ =	shalt  }
0x70: {  	_ =	shalt  }
0x71: {  	_ =	shalt  }
0x72: {  	_ =	shalt  }
0x73: {  	_ =	shalt  }
0x74: {  	_ =	shalt  }
0x75: {  	_ =	shalt  }
0x76: {  	_ =	shalt  }
0x77: {  	_ =	shalt  }
0x78: {  	_ =	shalt  }
0x79: {  	_ =	shalt  }
0x7a: {  	_ =	shalt  }
0x7b: {  	_ =	shalt  }
0x7c: {  	_ =	shalt  }
0x7d: {  	_ =	shalt  }
0x7e: {  	_ =	shalt  }
0x7f: {  	_ =	shalt  }
0x80: {  	_ =	shalt  }
0x81: {  	_ =	shalt  }
0x82: {  	_ =	shalt  }
0x83: {  	_ =	shalt  }
0x84: {  	_ =	shalt  }
0x85: {  	_ =	shalt  }
0x86: {  	_ =	shalt  }
0x87: {  	_ =	shalt  }
.Lfunc_end0:
.L_simem_size_0:
called_computation.2_lowered:
.L_overlay_start_0:
0x88: {  	s2 =	sld [smem:$0x3FD9]  }
0x89: {  	s3 =	sld [smem:$0x3FFE];
	_ =	sdelay $0x1  }
0x8a: {  	s1 =	srdreg.scid  }
0x8b: {  	s0 =	sand.u32 $0x1, s1  }
0x8c: {  	s14 =	sshll.u32 s0, $0xA;
	s2 =	sadd.s32 s3, s2  }
0x8d: {  	s2 =	sadd.s32 s2, s14  }
0x8e: {  	[smem:$0x3FC6] =	sst s2  }
0x8f: {  	_ = 	snop  }
0x90: {  	s2 =	sld [smem:$0x3FD0];
	_ =	sdelay $0x2  }
0x91: {  	s15 =	simm.s32 $0xB;
	s4 =	simm.s32 $0x10  }
0x92: {  	[smem:s4], [sflag:s15] =	dma.local [hbm:s2], $0x1  }
0x93: {  	_ =	swait.eq [sflag:s15], $0x1  }
0x94: {  	[sflag:s15] =	ssyncset.done $0x0  }
0x95: {  	s16 =	sld [smem:$0x10];
	[sflag:s15] =	ssyncadd.s32 $0xFFFFFFFF  }
0x96: {  	s17 =	sld [smem:$0x11];
	(tm) =	ssettm $0x1  }
0x97: {  	s18 =	sld [smem:$0x3FFB];
	_ =	sdelay $0x3  }
0x98: {  	_ =	strace s18  }
0x99: {  	s4 =	sld [smem:$0x3FFC];
	_ =	sdelay $0x3  }
0x9a: {  	_ =	strace s4  }
0x9b: {  	s4 =	sld [smem:$0x3FFD];
	_ =	sdelay $0x3  }
0x9c: {  	_ =	strace s4  }
0x9d: {  	_ =	strace $0x8FFFFFFF  }
0x9e: {  	s19 =	sld [smem:$0x3FDB];
	_ =	sdelay $0x1  }
0x9f: {  	s5 =	simm.s32 $_scs_section_size  }
0xa0: {  	s6 =	simm.s32 $_size__tile_overlayer_lowered;
	s7 =	simm.s32 $_tile_overlayer_lowered  }
0xa1: {  	s22 =	simm.s32 $0x1BFF;
	s21 =	sshll.u32 s7, $0x1;
	s4 =	sadd.s32 s5, s19  }
0xa2: {  	s8 =	simm.s32 $0x0;
	s20 =	sshll.u32 s6, $0x1;
	s6 =	sadd.s32 s21, s4  }
0xa3: {  	[timem:s8], [sflag:s22] =	dma.local [hbm:s6], s20  }
0xa4: {  	_ =	swait.ge [sflag:s22], s20  }
0xa5: {  	s5 =	ssub.s32 $0x0, s20;
	[sflag:s22] =	ssyncset.done $0x0  }
0xa6: {  	[sflag:s22] =	ssyncadd.s32 s5;
	_ =	sdelay $0x1  }
0xa7: {  	s23 =	simm.s32 $0x1B8B  }
0xa8: {  	_ =	swait.ge [sflag:s23], $0x1  }
0xa9: {  	[sflag:s23] =	ssyncset.done $0x0  }
0xaa: {  	s25 =	simm.s32 $0x1B8E;
	s24 =	sld [smem:$0x3FFE];
	[sflag:s23] =	ssyncadd.s32 $0xFFFFFFFF  }
0xab: {  	s26 =	simm.s32 $execute0_lowered;
	[smem:$0x3FD2] =	sst s25  }
0xac: {  	s6 =	sshll.u32 s26, $0x1;
	_ =	strace $0x8000004C;
	[dreg:$0x1] =	wrdreg $0xFFFFFFFF  }
0xad: {  	s28 =	simm.s32 $_size_execute0_lowered;
	s4 =	sadd.s32 s4, s6;
	[dreg:$0x0] =	wrdreg $0x0  }
0xae: {  	s6 =	sshll.u32 s28, $0x1;
	[dreg:$0x2] =	wrdreg s4  }
0xaf: {  	[dreg:$0x3] =	wrdreg s6  }
0xb0: {  	[dreg:$0x4] =	wrdreg $0xC0  }
0xb1: {  	_ =	task [dreg:s8], $0x5FFFF  }
0xb2: {  	[dreg:$0x1] =	wrdreg $0xFFFFFFFF  }
0xb3: {  	[dreg:$0x0] =	wrdreg $0x60  }
0xb4: {  	[dreg:$0x2] =	wrdreg s16  }
0xb5: {  	[dreg:$0x3] =	wrdreg s17  }
0xb6: {  	[dreg:$0x4] =	wrdreg s24  }
0xb7: {  	[dreg:$0x5] =	wrdreg $0x9  }
0xb8: {  	_ =	task.clear_ibuf [dreg:s8], $0x6FFFF;
	_ =	strace $0x9000004C  }
0xb9: {  	s29 =	simm.s32 $0x9;
	_ =	strace $0x8000004E  }
0xba: {  	_ =	swait.ge [sflag:s29], $0x1  }
0xbb: {  	[sflag:s29] =	ssyncadd.s32 $0xFFFFFFFF  }
0xbc: {  	_ =	strace $0x9000004E  }
0xbd: {  	_ =	sfence  }
0xbe: {  	s30 =	sld [smem:$0x0];
	_ =	sdelay $0x2  }
0xbf: {  	s31 =	sshll.u32 s1, $0xD;
	s1 =	sshrl.u32 s1, $0x2  }
0xc0: {  	s3 =	sand.u32 $0x4000, s31;
	s1 =	sadd.s32 s1, s30  }
0xc1: {  	s0 =	sor.u32 s3, s0;
	s1 =	sshll.u32 s1, $0x11  }
0xc2: {  	s0 =	sor.u32 s1, s0  }
0xc3: {  	s0 =	sadd.s32 $0x8F2B, s0  }
0xc4: {  	[sflag:s0] =	ssyncadd.remote.s32 $0x1  }
0xc5: {  	_ =	sfence.sel $0xFFFF  }
0xc6: {  	[dreg:$0x0] =	wrdreg $0xFFFFFFFF;
	(pc) =	sbr.abs _section_cstart, $3  }
0xc7: {  	[dreg:$0x1] =	wrdreg $0xFFFFFFFF  }
0xc8: {  	_ =	task.clear_ibuf [dreg:s8], $0x2FFFF;
	_ =	strace $0x9FFFFFFF  }
0xc9: {  	(tm) =	ssettm $0x7FFFFFFF  }
tec
execute0_lowered:
.L_overlay_start_1:
0x0: {  	(tag) =	ssettag $0x1  }
0x1: {  	s1 =	rddreg [dreg:$0x0]  }
0x2: {  	s0 =	rddreg [dreg:$0x1]  }
0x3: {  	s2 =	rddreg [dreg:$0x2];
	s3 =	simm.s32 $0x0;
	s4 =	srdreg.scid  }
0x4: {  	s8 =	stileid.u32;
	s26 =	simm.s32 $0x10000;
	s10 =	simm.s32 $0x1  }
0x5: {  	s11 =	simm.s32 $0x2;
	s14 =	simm.s32 $0x1000;
	s15 =	simm.s32 $0x1800  }
0x6: {  	s16 =	simm.s32 $0x2000;
	s17 =	simm.s32 $0x2800;
	s18 =	simm.s32 $0x3000  }
0x7: {  	s28 =	simm.s32 $0x7000;
	s29 =	simm.s32 $0x7800;
	s30 =	simm.s32 $0x8800  }
0x8: {  	s31 =	simm.s32 $0x9000;
	s9 =	simm.s32 $0xC000;
	[smem:$0x7FF] =	sst s3  }
0x9: {  	s4 =	sand.u32 $0x1, s4;
	s5 =	sshll.u32 s8, $0xF;
	s19 =	sshll.u32 s8, $0x7  }
0xa: {  	s8 =	simm.s32 $0xB800;
	s6 =	sshll.u32 s4, $0xE;
	s7 =	sshll.u32 s4, $0x6  }
0xb: {  	_ =	strace $0x8000004D;
	s4 =	ssub.s32 $0x2, s4;
	[dreg:$0x9] =	wrdreg s26  }
0xc: {  	s26 =	simm.s32 $0x6800;
	s5 =	sor.u32 s6, s5;
	s0 =	sadd.s32 s0, s7  }
0xd: {  	s23 =	sshrl.u32 s4, $0x1;
	s6 =	simm.s32 $0xA800;
	s7 =	simm.s32 $0xB000  }
0xe: {  	s2 =	sadd.s32 s5, s2;
	s0 =	sadd.s32 s19, s0;
	s25 =	ssub.s32 s4, s23  }
0xf: {  	s19 =	simm.s32 $0x3800;
	[dreg:$0x4] =	wrdreg s0;
	s20 =	sadd.s32 $0x2800, s2  }
0x10: {  	s23 =	simm.s32 $0x5000;
	s21 =	sadd.s32 $0x3800, s2;
	[dreg:$0x5] =	wrdreg s20  }
0x11: {  	s5 =	simm.s32 $0xC800;
	s22 =	sadd.s32 $0x4800, s2;
	[dreg:$0x6] =	wrdreg s21  }
0x12: {  	v2 =	vlaneseq.u32;
	s24 =	sadd.s32 $0x5800, s2;
	s4 =	smax.u32 s25, $0x1;
	[dreg:$0x7] =	wrdreg s22  }
0x13: {  	vm0 =	vmmov $0xffff;
	v1 =	vshrl.u32 v2, $0x3;
	s25 =	simm.s32 $0x6000;
	[dreg:$0x8] =	wrdreg s24;
	s20 =	simm.s32 $0x4000  }
0x14: {  	v0 =	vand.u32 $0x7, v2;
	v2 =	vor.u32 $0x8, v2;
	v1 =	vmul.u32 $0x8, v1;
	s22 =	simm.s32 $0x4800;
	s24 =	simm.s32 $0x5800;
	s21 =	simm.s32 $0xD000  }
.LBB2_1:
0x15: {  	s12 =	rddreg [dreg:$0x4]  }
0x16: {  	s13 =	rddreg [dreg:$0x9];
	s0 =	simm.s32 $0x3  }
0x17: {  	[tilespmem:s13], [sflag:$0x3] =	stream.linear.gather [hbm4b:s12+s3], $0x200, $0x38;
	[tilespmem:$0x10200] =	vst v63  }
0x18: {  	_ =	swait.ge [sflag:s0], $0x200  }
0x19: {  	[sflag:s0] =	ssyncset.done $0x0  }
0x1a: {  	[sflag:s0] =	ssyncadd.s32 $0xFFFFFE00  }
0x1b: {  	v3 =	vld [tilespmem:$0x10000];
	_ =	sdelay $0x4  }
0x1c: {  	v4 =	vshll.u32 v3, $0x1  }
0x1d: {  	v3 =	vand.u32 $0x7, v3;
	v4 =	vand.u32 $0xFFFFFFF0, v4  }
0x1e: {  	v3 =	vor.u32 v3, v4  }
0x1f: {  	v4 =	vperm.xlane v3, v0;
	_ =	sdelay $0x1  }
0x20: {  	v3 =	vperm.xlane v3, v2;
	v4 =	vadd.s32 v1, v4;
	_ =	sdelay $0x1  }
0x21: {  	v3 =	vadd.s32 v1, v3;
	_ =	sdelay $0x2  }
0x22: {  	[tilespmem:s3], [sflag:$0x1] =	stream.indirect_vreg.gather [hbm4b:s1+s3], $0x80, v4, vm0, $0xb8;
	[tilespmem:$0x10200] =	vst v63  }
0x23: {  	s13 =	simm.s32 $0x800  }
0x24: {  	[tilespmem:s13], [sflag:$0x1] =	stream.indirect_vreg.gather [hbm4b:s1+s3], $0x80, v3, vm0, $0xb8;
	[tilespmem:$0x10200] =	vst v63  }
0x25: {  	v3 =	vld [tilespmem:$0x10010];
	_ =	sdelay $0x4  }
0x26: {  	v33 =	vshll.u32 v3, $0x1  }
0x27: {  	v3 =	vand.u32 $0x7, v3;
	v4 =	vand.u32 $0xFFFFFFF0, v33  }
0x28: {  	v3 =	vor.u32 v3, v4  }
0x29: {  	v4 =	vperm.xlane v3, v0;
	_ =	sdelay $0x1  }
0x2a: {  	v3 =	vperm.xlane v3, v2;
	v4 =	vadd.s32 v1, v4;
	_ =	sdelay $0x1  }
0x2b: {  	v3 =	vadd.s32 v1, v3;
	_ =	sdelay $0x2  }
0x2c: {  	[tilespmem:s14], [sflag:$0x1] =	stream.indirect_vreg.gather [hbm4b:s1+s3], $0x80, v4, vm0, $0xb8;
	[tilespmem:$0x10200] =	vst v63  }
0x2d: {  	_ = 	snop  }
0x2e: {  	[tilespmem:s15], [sflag:$0x1] =	stream.indirect_vreg.gather [hbm4b:s1+s3], $0x80, v3, vm0, $0xb8;
	[tilespmem:$0x10200] =	vst v63  }
0x2f: {  	v3 =	vld [tilespmem:$0x10020];
	_ =	sdelay $0x4  }
0x30: {  	v34 =	vshll.u32 v3, $0x1  }
0x31: {  	v3 =	vand.u32 $0x7, v3;
	v4 =	vand.u32 $0xFFFFFFF0, v34  }
0x32: {  	v3 =	vor.u32 v3, v4  }
0x33: {  	v4 =	vperm.xlane v3, v0;
	_ =	sdelay $0x1  }
0x34: {  	v3 =	vperm.xlane v3, v2;
	v4 =	vadd.s32 v1, v4;
	_ =	sdelay $0x1  }
0x35: {  	v3 =	vadd.s32 v1, v3;
	_ =	sdelay $0x2  }
0x36: {  	[tilespmem:s16], [sflag:$0x1] =	stream.indirect_vreg.gather [hbm4b:s1+s3], $0x80, v4, vm0, $0xb8;
	[tilespmem:$0x10200] =	vst v63  }
0x37: {  	_ = 	snop  }
0x38: {  	[tilespmem:s17], [sflag:$0x1] =	stream.indirect_vreg.gather [hbm4b:s1+s3], $0x80, v3, vm0, $0xb8;
	[tilespmem:$0x10200] =	vst v63  }
0x39: {  	v3 =	vld [tilespmem:$0x10030];
	_ =	sdelay $0x4  }
0x3a: {  	v35 =	vshll.u32 v3, $0x1  }
0x3b: {  	v3 =	vand.u32 $0x7, v3;
	v4 =	vand.u32 $0xFFFFFFF0, v35  }
0x3c: {  	v3 =	vor.u32 v3, v4  }
0x3d: {  	v4 =	vperm.xlane v3, v0;
	_ =	sdelay $0x1  }
0x3e: {  	v3 =	vperm.xlane v3, v2;
	v4 =	vadd.s32 v1, v4;
	_ =	sdelay $0x1  }
0x3f: {  	v3 =	vadd.s32 v1, v3;
	_ =	sdelay $0x2  }
0x40: {  	[tilespmem:s18], [sflag:$0x1] =	stream.indirect_vreg.gather [hbm4b:s1+s3], $0x80, v4, vm0, $0xb8;
	[tilespmem:$0x10200] =	vst v63  }
0x41: {  	_ = 	snop  }
0x42: {  	[tilespmem:s19], [sflag:$0x1] =	stream.indirect_vreg.gather [hbm4b:s1+s3], $0x80, v3, vm0, $0xb8;
	[tilespmem:$0x10200] =	vst v63  }
0x43: {  	v3 =	vld [tilespmem:$0x10040];
	_ =	sdelay $0x4  }
0x44: {  	v36 =	vshll.u32 v3, $0x1  }
0x45: {  	v3 =	vand.u32 $0x7, v3;
	v4 =	vand.u32 $0xFFFFFFF0, v36  }
0x46: {  	v3 =	vor.u32 v3, v4  }
0x47: {  	v4 =	vperm.xlane v3, v0;
	_ =	sdelay $0x1  }
0x48: {  	v3 =	vperm.xlane v3, v2;
	v4 =	vadd.s32 v1, v4;
	_ =	sdelay $0x1  }
0x49: {  	v3 =	vadd.s32 v1, v3;
	_ =	sdelay $0x2  }
0x4a: {  	[tilespmem:s20], [sflag:$0x1] =	stream.indirect_vreg.gather [hbm4b:s1+s3], $0x80, v4, vm0, $0xb8;
	[tilespmem:$0x10200] =	vst v63  }
0x4b: {  	_ = 	snop  }
0x4c: {  	[tilespmem:s22], [sflag:$0x1] =	stream.indirect_vreg.gather [hbm4b:s1+s3], $0x80, v3, vm0, $0xb8;
	[tilespmem:$0x10200] =	vst v63  }
0x4d: {  	v3 =	vld [tilespmem:$0x10050];
	_ =	sdelay $0x4  }
0x4e: {  	v37 =	vshll.u32 v3, $0x1  }
0x4f: {  	v3 =	vand.u32 $0x7, v3;
	v4 =	vand.u32 $0xFFFFFFF0, v37  }
0x50: {  	v3 =	vor.u32 v3, v4  }
0x51: {  	v4 =	vperm.xlane v3, v0;
	_ =	sdelay $0x1  }
0x52: {  	v3 =	vperm.xlane v3, v2;
	v4 =	vadd.s32 v1, v4;
	_ =	sdelay $0x1  }
0x53: {  	v3 =	vadd.s32 v1, v3;
	_ =	sdelay $0x2  }
0x54: {  	[tilespmem:s23], [sflag:$0x1] =	stream.indirect_vreg.gather [hbm4b:s1+s3], $0x80, v4, vm0, $0xb8;
	[tilespmem:$0x10200] =	vst v63  }
0x55: {  	_ = 	snop  }
0x56: {  	[tilespmem:s24], [sflag:$0x1] =	stream.indirect_vreg.gather [hbm4b:s1+s3], $0x80, v3, vm0, $0xb8;
	[tilespmem:$0x10200] =	vst v63  }
0x57: {  	v3 =	vld [tilespmem:$0x10060];
	_ =	sdelay $0x4  }
0x58: {  	v38 =	vshll.u32 v3, $0x1  }
0x59: {  	v3 =	vand.u32 $0x7, v3;
	v4 =	vand.u32 $0xFFFFFFF0, v38  }
0x5a: {  	v3 =	vor.u32 v3, v4  }
0x5b: {  	v4 =	vperm.xlane v3, v0;
	_ =	sdelay $0x1  }
0x5c: {  	v3 =	vperm.xlane v3, v2;
	v4 =	vadd.s32 v1, v4;
	_ =	sdelay $0x1  }
0x5d: {  	v3 =	vadd.s32 v1, v3;
	_ =	sdelay $0x2  }
0x5e: {  	[tilespmem:s25], [sflag:$0x1] =	stream.indirect_vreg.gather [hbm4b:s1+s3], $0x80, v4, vm0, $0xb8;
	[tilespmem:$0x10200] =	vst v63  }
0x5f: {  	_ = 	snop  }
0x60: {  	[tilespmem:s26], [sflag:$0x1] =	stream.indirect_vreg.gather [hbm4b:s1+s3], $0x80, v3, vm0, $0xb8;
	[tilespmem:$0x10200] =	vst v63  }
0x61: {  	v3 =	vld [tilespmem:$0x10070];
	_ =	sdelay $0x4  }
0x62: {  	v39 =	vshll.u32 v3, $0x1  }
0x63: {  	v3 =	vand.u32 $0x7, v3;
	v4 =	vand.u32 $0xFFFFFFF0, v39  }
0x64: {  	v3 =	vor.u32 v3, v4  }
0x65: {  	v4 =	vperm.xlane v3, v0;
	_ =	sdelay $0x1  }
0x66: {  	v3 =	vperm.xlane v3, v2;
	v4 =	vadd.s32 v1, v4;
	_ =	sdelay $0x1  }
0x67: {  	v3 =	vadd.s32 v1, v3;
	_ =	sdelay $0x2  }
0x68: {  	[tilespmem:s28], [sflag:$0x1] =	stream.indirect_vreg.gather [hbm4b:s1+s3], $0x80, v4, vm0, $0xb8;
	[tilespmem:$0x10200] =	vst v63  }
0x69: {  	_ = 	snop  }
0x6a: {  	[tilespmem:s29], [sflag:$0x1] =	stream.indirect_vreg.gather [hbm4b:s1+s3], $0x80, v3, vm0, $0xb8;
	[tilespmem:$0x10200] =	vst v63  }
0x6b: {  	v3 =	vld [tilespmem:$0x10080];
	_ =	sdelay $0x4  }
0x6c: {  	v40 =	vshll.u32 v3, $0x1  }
0x6d: {  	v3 =	vand.u32 $0x7, v3;
	v4 =	vand.u32 $0xFFFFFFF0, v40  }
0x6e: {  	v3 =	vor.u32 v3, v4  }
0x6f: {  	v4 =	vperm.xlane v3, v0;
	_ =	sdelay $0x1  }
0x70: {  	v3 =	vperm.xlane v3, v2;
	v4 =	vadd.s32 v1, v4;
	_ =	sdelay $0x1  }
0x71: {  	v3 =	vadd.s32 v1, v3;
	_ =	sdelay $0x1  }
0x72: {  	s0 =	simm.s32 $0x8000  }
0x73: {  	[tilespmem:s0], [sflag:$0x1] =	stream.indirect_vreg.gather [hbm4b:s1+s3], $0x80, v4, vm0, $0xb8;
	[tilespmem:$0x10200] =	vst v63  }
0x74: {  	_ = 	snop  }
0x75: {  	[tilespmem:s30], [sflag:$0x1] =	stream.indirect_vreg.gather [hbm4b:s1+s3], $0x80, v3, vm0, $0xb8;
	[tilespmem:$0x10200] =	vst v63  }
0x76: {  	v3 =	vld [tilespmem:$0x10090];
	_ =	sdelay $0x4  }
0x77: {  	v41 =	vshll.u32 v3, $0x1  }
0x78: {  	v3 =	vand.u32 $0x7, v3;
	v4 =	vand.u32 $0xFFFFFFF0, v41  }
0x79: {  	v3 =	vor.u32 v3, v4  }
0x7a: {  	v4 =	vperm.xlane v3, v0;
	_ =	sdelay $0x1  }
0x7b: {  	v3 =	vperm.xlane v3, v2;
	v4 =	vadd.s32 v1, v4;
	_ =	sdelay $0x1  }
0x7c: {  	v3 =	vadd.s32 v1, v3;
	_ =	sdelay $0x2  }
0x7d: {  	[tilespmem:s31], [sflag:$0x1] =	stream.indirect_vreg.gather [hbm4b:s1+s3], $0x80, v4, vm0, $0xb8;
	[tilespmem:$0x10200] =	vst v63  }
0x7e: {  	s2 =	simm.s32 $0x9800  }
0x7f: {  	[tilespmem:s2], [sflag:$0x1] =	stream.indirect_vreg.gather [hbm4b:s1+s3], $0x80, v3, vm0, $0xb8;
	[tilespmem:$0x10200] =	vst v63  }
0x80: {  	v3 =	vld [tilespmem:$0x100A0];
	_ =	sdelay $0x4  }
0x81: {  	v42 =	vshll.u32 v3, $0x1  }
0x82: {  	v3 =	vand.u32 $0x7, v3;
	v4 =	vand.u32 $0xFFFFFFF0, v42  }
0x83: {  	v3 =	vor.u32 v3, v4  }
0x84: {  	v4 =	vperm.xlane v3, v0;
	_ =	sdelay $0x1  }
0x85: {  	v3 =	vperm.xlane v3, v2;
	v4 =	vadd.s32 v1, v4;
	_ =	sdelay $0x1  }
0x86: {  	v3 =	vadd.s32 v1, v3;
	_ =	sdelay $0x1  }
0x87: {  	s2 =	simm.s32 $0xA000  }
0x88: {  	[tilespmem:s2], [sflag:$0x1] =	stream.indirect_vreg.gather [hbm4b:s1+s3], $0x80, v4, vm0, $0xb8;
	[tilespmem:$0x10200] =	vst v63  }
0x89: {  	_ = 	snop  }
0x8a: {  	[tilespmem:s6], [sflag:$0x1] =	stream.indirect_vreg.gather [hbm4b:s1+s3], $0x80, v3, vm0, $0xb8;
	[tilespmem:$0x10200] =	vst v63  }
0x8b: {  	v3 =	vld [tilespmem:$0x100B0];
	_ =	sdelay $0x4  }
0x8c: {  	v43 =	vshll.u32 v3, $0x1  }
0x8d: {  	v3 =	vand.u32 $0x7, v3;
	v4 =	vand.u32 $0xFFFFFFF0, v43  }
0x8e: {  	v3 =	vor.u32 v3, v4  }
0x8f: {  	v4 =	vperm.xlane v3, v0;
	_ =	sdelay $0x1  }
0x90: {  	v3 =	vperm.xlane v3, v2;
	v4 =	vadd.s32 v1, v4;
	_ =	sdelay $0x1  }
0x91: {  	v3 =	vadd.s32 v1, v3;
	_ =	sdelay $0x2  }
0x92: {  	[tilespmem:s7], [sflag:$0x1] =	stream.indirect_vreg.gather [hbm4b:s1+s3], $0x80, v4, vm0, $0xb8;
	[tilespmem:$0x10200] =	vst v63  }
0x93: {  	_ = 	snop  }
0x94: {  	[tilespmem:s8], [sflag:$0x1] =	stream.indirect_vreg.gather [hbm4b:s1+s3], $0x80, v3, vm0, $0xb8;
	[tilespmem:$0x10200] =	vst v63  }
0x95: {  	v3 =	vld [tilespmem:$0x100C0];
	_ =	sdelay $0x4  }
0x96: {  	v44 =	vshll.u32 v3, $0x1  }
0x97: {  	v3 =	vand.u32 $0x7, v3;
	v4 =	vand.u32 $0xFFFFFFF0, v44  }
0x98: {  	v3 =	vor.u32 v3, v4  }
0x99: {  	v4 =	vperm.xlane v3, v0;
	_ =	sdelay $0x1  }
0x9a: {  	v3 =	vperm.xlane v3, v2;
	v4 =	vadd.s32 v1, v4;
	_ =	sdelay $0x1  }
0x9b: {  	v3 =	vadd.s32 v1, v3;
	_ =	sdelay $0x2  }
0x9c: {  	[tilespmem:s9], [sflag:$0x1] =	stream.indirect_vreg.gather [hbm4b:s1+s3], $0x80, v4, vm0, $0xb8;
	[tilespmem:$0x10200] =	vst v63  }
0x9d: {  	_ = 	snop  }
0x9e: {  	[tilespmem:s5], [sflag:$0x1] =	stream.indirect_vreg.gather [hbm4b:s1+s3], $0x80, v3, vm0, $0xb8;
	[tilespmem:$0x10200] =	vst v63  }
0x9f: {  	v3 =	vld [tilespmem:$0x100D0];
	_ =	sdelay $0x4  }
0xa0: {  	v45 =	vshll.u32 v3, $0x1  }
0xa1: {  	v3 =	vand.u32 $0x7, v3;
	v4 =	vand.u32 $0xFFFFFFF0, v45  }
0xa2: {  	v3 =	vor.u32 v3, v4  }
0xa3: {  	v4 =	vperm.xlane v3, v0;
	_ =	sdelay $0x1  }
0xa4: {  	v3 =	vperm.xlane v3, v2;
	v4 =	vadd.s32 v1, v4;
	_ =	sdelay $0x1  }
0xa5: {  	v3 =	vadd.s32 v1, v3;
	_ =	sdelay $0x2  }
0xa6: {  	[tilespmem:s21], [sflag:$0x1] =	stream.indirect_vreg.gather [hbm4b:s1+s3], $0x80, v4, vm0, $0xb8;
	[tilespmem:$0x10200] =	vst v63  }
0xa7: {  	s12 =	simm.s32 $0xD800  }
0xa8: {  	[tilespmem:s12], [sflag:$0x1] =	stream.indirect_vreg.gather [hbm4b:s1+s3], $0x80, v3, vm0, $0xb8;
	[tilespmem:$0x10200] =	vst v63  }
0xa9: {  	v3 =	vld [tilespmem:$0x100E0];
	_ =	sdelay $0x4  }
0xaa: {  	v46 =	vshll.u32 v3, $0x1  }
0xab: {  	v3 =	vand.u32 $0x7, v3;
	v4 =	vand.u32 $0xFFFFFFF0, v46  }
0xac: {  	v3 =	vor.u32 v3, v4  }
0xad: {  	v4 =	vperm.xlane v3, v0;
	_ =	sdelay $0x1  }
0xae: {  	v3 =	vperm.xlane v3, v2;
	v4 =	vadd.s32 v1, v4;
	_ =	sdelay $0x1  }
0xaf: {  	v3 =	vadd.s32 v1, v3;
	_ =	sdelay $0x1  }
0xb0: {  	s12 =	simm.s32 $0xE000  }
0xb1: {  	[tilespmem:s12], [sflag:$0x1] =	stream.indirect_vreg.gather [hbm4b:s1+s3], $0x80, v4, vm0, $0xb8;
	[tilespmem:$0x10200] =	vst v63  }
0xb2: {  	s12 =	simm.s32 $0xE800  }
0xb3: {  	[tilespmem:s12], [sflag:$0x1] =	stream.indirect_vreg.gather [hbm4b:s1+s3], $0x80, v3, vm0, $0xb8;
	[tilespmem:$0x10200] =	vst v63  }
0xb4: {  	v3 =	vld [tilespmem:$0x100F0];
	_ =	sdelay $0x4  }
0xb5: {  	v47 =	vshll.u32 v3, $0x1  }
0xb6: {  	v3 =	vand.u32 $0x7, v3;
	v4 =	vand.u32 $0xFFFFFFF0, v47  }
0xb7: {  	v3 =	vor.u32 v3, v4  }
0xb8: {  	v4 =	vperm.xlane v3, v0;
	_ =	sdelay $0x1  }
0xb9: {  	v3 =	vperm.xlane v3, v2;
	v4 =	vadd.s32 v1, v4;
	_ =	sdelay $0x1  }
0xba: {  	v3 =	vadd.s32 v1, v3;
	_ =	sdelay $0x1  }
0xbb: {  	s12 =	simm.s32 $0xF000  }
0xbc: {  	[tilespmem:s12], [sflag:$0x1] =	stream.indirect_vreg.gather [hbm4b:s1+s3], $0x80, v4, vm0, $0xb8;
	[tilespmem:$0x10200] =	vst v63  }
0xbd: {  	s12 =	simm.s32 $0xF800  }
0xbe: {  	[tilespmem:s12], [sflag:$0x1] =	stream.indirect_vreg.gather [hbm4b:s1+s3], $0x80, v3, vm0, $0xb8;
	[tilespmem:$0x10200] =	vst v63  }
0xbf: {  	_ =	swait.ge [sflag:s10], $0x8000  }
0xc0: {  	[sflag:s10] =	ssyncset.done $0x0  }
0xc1: {  	s12 =	rddreg [dreg:$0x5];
	[sflag:s10] =	ssyncadd.s32 $0xFFFF8000  }
0xc2: {  	[hbm4b:s12+s3] =	stream.linear.scatter [tilespmem:s3], [sflag:$0x2], $0x8000, $0x38;
	[tilespmem:$0x10200] =	vst v63  }
0xc3: {  	_ =	swait.ge [sflag:s11], $0x8000  }
0xc4: {  	[sflag:s11] =	ssyncset.done $0x0  }
0xc5: {  	[sflag:s11] =	ssyncadd.s32 $0xFFFF8000  }
0xc6: {  	v3 =	vld [tilespmem:$0x10100];
	_ =	sdelay $0x4  }
0xc7: {  	v48 =	vshll.u32 v3, $0x1  }
0xc8: {  	v3 =	vand.u32 $0x7, v3;
	v4 =	vand.u32 $0xFFFFFFF0, v48  }
0xc9: {  	v3 =	vor.u32 v3, v4  }
0xca: {  	v4 =	vperm.xlane v3, v0;
	_ =	sdelay $0x1  }
0xcb: {  	v3 =	vperm.xlane v3, v2;
	v4 =	vadd.s32 v1, v4;
	_ =	sdelay $0x1  }
0xcc: {  	v3 =	vadd.s32 v1, v3;
	_ =	sdelay $0x2  }
0xcd: {  	[tilespmem:s3], [sflag:$0x1] =	stream.indirect_vreg.gather [hbm4b:s1+s3], $0x80, v4, vm0, $0xb8;
	[tilespmem:$0x10200] =	vst v63  }
0xce: {  	_ = 	snop  }
0xcf: {  	[tilespmem:s13], [sflag:$0x1] =	stream.indirect_vreg.gather [hbm4b:s1+s3], $0x80, v3, vm0, $0xb8;
	[tilespmem:$0x10200] =	vst v63  }
0xd0: {  	v3 =	vld [tilespmem:$0x10110];
	_ =	sdelay $0x4  }
0xd1: {  	v49 =	vshll.u32 v3, $0x1  }
0xd2: {  	v3 =	vand.u32 $0x7, v3;
	v4 =	vand.u32 $0xFFFFFFF0, v49  }
0xd3: {  	v3 =	vor.u32 v3, v4  }
0xd4: {  	v4 =	vperm.xlane v3, v0;
	_ =	sdelay $0x1  }
0xd5: {  	v3 =	vperm.xlane v3, v2;
	v4 =	vadd.s32 v1, v4;
	_ =	sdelay $0x1  }
0xd6: {  	v3 =	vadd.s32 v1, v3;
	_ =	sdelay $0x2  }
0xd7: {  	[tilespmem:s14], [sflag:$0x1] =	stream.indirect_vreg.gather [hbm4b:s1+s3], $0x80, v4, vm0, $0xb8;
	[tilespmem:$0x10200] =	vst v63  }
0xd8: {  	_ = 	snop  }
0xd9: {  	[tilespmem:s15], [sflag:$0x1] =	stream.indirect_vreg.gather [hbm4b:s1+s3], $0x80, v3, vm0, $0xb8;
	[tilespmem:$0x10200] =	vst v63  }
0xda: {  	v3 =	vld [tilespmem:$0x10120];
	_ =	sdelay $0x4  }
0xdb: {  	v50 =	vshll.u32 v3, $0x1  }
0xdc: {  	v3 =	vand.u32 $0x7, v3;
	v4 =	vand.u32 $0xFFFFFFF0, v50  }
0xdd: {  	v3 =	vor.u32 v3, v4  }
0xde: {  	v4 =	vperm.xlane v3, v0;
	_ =	sdelay $0x1  }
0xdf: {  	v3 =	vperm.xlane v3, v2;
	v4 =	vadd.s32 v1, v4;
	_ =	sdelay $0x1  }
0xe0: {  	v3 =	vadd.s32 v1, v3;
	_ =	sdelay $0x2  }
0xe1: {  	[tilespmem:s16], [sflag:$0x1] =	stream.indirect_vreg.gather [hbm4b:s1+s3], $0x80, v4, vm0, $0xb8;
	[tilespmem:$0x10200] =	vst v63  }
0xe2: {  	_ = 	snop  }
0xe3: {  	[tilespmem:s17], [sflag:$0x1] =	stream.indirect_vreg.gather [hbm4b:s1+s3], $0x80, v3, vm0, $0xb8;
	[tilespmem:$0x10200] =	vst v63  }
0xe4: {  	v3 =	vld [tilespmem:$0x10130];
	_ =	sdelay $0x4  }
0xe5: {  	v51 =	vshll.u32 v3, $0x1  }
0xe6: {  	v3 =	vand.u32 $0x7, v3;
	v4 =	vand.u32 $0xFFFFFFF0, v51  }
0xe7: {  	v3 =	vor.u32 v3, v4  }
0xe8: {  	v4 =	vperm.xlane v3, v0;
	_ =	sdelay $0x1  }
0xe9: {  	v3 =	vperm.xlane v3, v2;
	v4 =	vadd.s32 v1, v4;
	_ =	sdelay $0x1  }
0xea: {  	v3 =	vadd.s32 v1, v3;
	_ =	sdelay $0x2  }
0xeb: {  	[tilespmem:s18], [sflag:$0x1] =	stream.indirect_vreg.gather [hbm4b:s1+s3], $0x80, v4, vm0, $0xb8;
	[tilespmem:$0x10200] =	vst v63  }
0xec: {  	_ = 	snop  }
0xed: {  	[tilespmem:s19], [sflag:$0x1] =	stream.indirect_vreg.gather [hbm4b:s1+s3], $0x80, v3, vm0, $0xb8;
	[tilespmem:$0x10200] =	vst v63  }
0xee: {  	v3 =	vld [tilespmem:$0x10140];
	_ =	sdelay $0x4  }
0xef: {  	v52 =	vshll.u32 v3, $0x1  }
0xf0: {  	v3 =	vand.u32 $0x7, v3;
	v4 =	vand.u32 $0xFFFFFFF0, v52  }
0xf1: {  	v3 =	vor.u32 v3, v4  }
0xf2: {  	v4 =	vperm.xlane v3, v0;
	_ =	sdelay $0x1  }
0xf3: {  	v3 =	vperm.xlane v3, v2;
	v4 =	vadd.s32 v1, v4;
	_ =	sdelay $0x1  }
0xf4: {  	v3 =	vadd.s32 v1, v3;
	_ =	sdelay $0x2  }
0xf5: {  	[tilespmem:s20], [sflag:$0x1] =	stream.indirect_vreg.gather [hbm4b:s1+s3], $0x80, v4, vm0, $0xb8;
	[tilespmem:$0x10200] =	vst v63  }
0xf6: {  	_ = 	snop  }
0xf7: {  	[tilespmem:s22], [sflag:$0x1] =	stream.indirect_vreg.gather [hbm4b:s1+s3], $0x80, v3, vm0, $0xb8;
	[tilespmem:$0x10200] =	vst v63  }
0xf8: {  	v3 =	vld [tilespmem:$0x10150];
	_ =	sdelay $0x4  }
0xf9: {  	v53 =	vshll.u32 v3, $0x1  }
0xfa: {  	v3 =	vand.u32 $0x7, v3;
	v4 =	vand.u32 $0xFFFFFFF0, v53  }
0xfb: {  	v3 =	vor.u32 v3, v4  }
0xfc: {  	v4 =	vperm.xlane v3, v0;
	_ =	sdelay $0x1  }
0xfd: {  	v3 =	vperm.xlane v3, v2;
	v4 =	vadd.s32 v1, v4;
	_ =	sdelay $0x1  }
0xfe: {  	v3 =	vadd.s32 v1, v3;
	_ =	sdelay $0x2  }
0xff: {  	[tilespmem:s23], [sflag:$0x1] =	stream.indirect_vreg.gather [hbm4b:s1+s3], $0x80, v4, vm0, $0xb8;
	[tilespmem:$0x10200] =	vst v63  }
0x100: {  	_ = 	snop  }
0x101: {  	[tilespmem:s24], [sflag:$0x1] =	stream.indirect_vreg.gather [hbm4b:s1+s3], $0x80, v3, vm0, $0xb8;
	[tilespmem:$0x10200] =	vst v63  }
0x102: {  	v3 =	vld [tilespmem:$0x10160];
	_ =	sdelay $0x4  }
0x103: {  	v54 =	vshll.u32 v3, $0x1  }
0x104: {  	v3 =	vand.u32 $0x7, v3;
	v4 =	vand.u32 $0xFFFFFFF0, v54  }
0x105: {  	v3 =	vor.u32 v3, v4  }
0x106: {  	v4 =	vperm.xlane v3, v0;
	_ =	sdelay $0x1  }
0x107: {  	v3 =	vperm.xlane v3, v2;
	v4 =	vadd.s32 v1, v4;
	_ =	sdelay $0x1  }
0x108: {  	v3 =	vadd.s32 v1, v3;
	_ =	sdelay $0x2  }
0x109: {  	[tilespmem:s25], [sflag:$0x1] =	stream.indirect_vreg.gather [hbm4b:s1+s3], $0x80, v4, vm0, $0xb8;
	[tilespmem:$0x10200] =	vst v63  }
0x10a: {  	_ = 	snop  }
0x10b: {  	[tilespmem:s26], [sflag:$0x1] =	stream.indirect_vreg.gather [hbm4b:s1+s3], $0x80, v3, vm0, $0xb8;
	[tilespmem:$0x10200] =	vst v63  }
0x10c: {  	v3 =	vld [tilespmem:$0x10170];
	_ =	sdelay $0x4  }
0x10d: {  	v55 =	vshll.u32 v3, $0x1  }
0x10e: {  	v3 =	vand.u32 $0x7, v3;
	v4 =	vand.u32 $0xFFFFFFF0, v55  }
0x10f: {  	v3 =	vor.u32 v3, v4  }
0x110: {  	v4 =	vperm.xlane v3, v0;
	_ =	sdelay $0x1  }
0x111: {  	v3 =	vperm.xlane v3, v2;
	v4 =	vadd.s32 v1, v4;
	_ =	sdelay $0x1  }
0x112: {  	v3 =	vadd.s32 v1, v3;
	_ =	sdelay $0x2  }
0x113: {  	[tilespmem:s28], [sflag:$0x1] =	stream.indirect_vreg.gather [hbm4b:s1+s3], $0x80, v4, vm0, $0xb8;
	[tilespmem:$0x10200] =	vst v63  }
0x114: {  	_ = 	snop  }
0x115: {  	[tilespmem:s29], [sflag:$0x1] =	stream.indirect_vreg.gather [hbm4b:s1+s3], $0x80, v3, vm0, $0xb8;
	[tilespmem:$0x10200] =	vst v63  }
0x116: {  	_ =	swait.ge [sflag:s10], $0x8000  }
0x117: {  	[sflag:s10] =	ssyncset.done $0x0  }
0x118: {  	s13 =	rddreg [dreg:$0x6];
	[sflag:s10] =	ssyncadd.s32 $0xFFFF8000  }
0x119: {  	[hbm4b:s13+s3] =	stream.linear.scatter [tilespmem:s0], [sflag:$0x2], $0x8000, $0x38;
	[tilespmem:$0x10200] =	vst v63  }
0x11a: {  	_ =	swait.ge [sflag:s11], $0x8000  }
0x11b: {  	[sflag:s11] =	ssyncset.done $0x0  }
0x11c: {  	[sflag:s11] =	ssyncadd.s32 $0xFFFF8000  }
0x11d: {  	v3 =	vld [tilespmem:$0x10180];
	_ =	sdelay $0x4  }
0x11e: {  	v56 =	vshll.u32 v3, $0x1  }
0x11f: {  	v3 =	vand.u32 $0x7, v3;
	v4 =	vand.u32 $0xFFFFFFF0, v56  }
0x120: {  	v3 =	vor.u32 v3, v4  }
0x121: {  	v4 =	vperm.xlane v3, v0;
	_ =	sdelay $0x1  }
0x122: {  	v3 =	vperm.xlane v3, v2;
	v4 =	vadd.s32 v1, v4;
	_ =	sdelay $0x1  }
0x123: {  	v3 =	vadd.s32 v1, v3;
	_ =	sdelay $0x2  }
0x124: {  	[tilespmem:s0], [sflag:$0x1] =	stream.indirect_vreg.gather [hbm4b:s1+s3], $0x80, v4, vm0, $0xb8;
	[tilespmem:$0x10200] =	vst v63  }
0x125: {  	_ = 	snop  }
0x126: {  	[tilespmem:s30], [sflag:$0x1] =	stream.indirect_vreg.gather [hbm4b:s1+s3], $0x80, v3, vm0, $0xb8;
	[tilespmem:$0x10200] =	vst v63  }
0x127: {  	v3 =	vld [tilespmem:$0x10190];
	_ =	sdelay $0x4  }
0x128: {  	v57 =	vshll.u32 v3, $0x1  }
0x129: {  	v3 =	vand.u32 $0x7, v3;
	v4 =	vand.u32 $0xFFFFFFF0, v57  }
0x12a: {  	v3 =	vor.u32 v3, v4  }
0x12b: {  	v4 =	vperm.xlane v3, v0;
	_ =	sdelay $0x1  }
0x12c: {  	v3 =	vperm.xlane v3, v2;
	v4 =	vadd.s32 v1, v4;
	_ =	sdelay $0x1  }
0x12d: {  	v3 =	vadd.s32 v1, v3;
	_ =	sdelay $0x2  }
0x12e: {  	[tilespmem:s31], [sflag:$0x1] =	stream.indirect_vreg.gather [hbm4b:s1+s3], $0x80, v4, vm0, $0xb8;
	[tilespmem:$0x10200] =	vst v63  }
0x12f: {  	s13 =	simm.s32 $0x9800  }
0x130: {  	[tilespmem:s13], [sflag:$0x1] =	stream.indirect_vreg.gather [hbm4b:s1+s3], $0x80, v3, vm0, $0xb8;
	[tilespmem:$0x10200] =	vst v63  }
0x131: {  	v3 =	vld [tilespmem:$0x101A0];
	_ =	sdelay $0x4  }
0x132: {  	v58 =	vshll.u32 v3, $0x1  }
0x133: {  	v3 =	vand.u32 $0x7, v3;
	v4 =	vand.u32 $0xFFFFFFF0, v58  }
0x134: {  	v3 =	vor.u32 v3, v4  }
0x135: {  	v4 =	vperm.xlane v3, v0;
	_ =	sdelay $0x1  }
0x136: {  	v3 =	vperm.xlane v3, v2;
	v4 =	vadd.s32 v1, v4;
	_ =	sdelay $0x1  }
0x137: {  	v3 =	vadd.s32 v1, v3;
	_ =	sdelay $0x2  }
0x138: {  	[tilespmem:s2], [sflag:$0x1] =	stream.indirect_vreg.gather [hbm4b:s1+s3], $0x80, v4, vm0, $0xb8;
	[tilespmem:$0x10200] =	vst v63  }
0x139: {  	_ = 	snop  }
0x13a: {  	[tilespmem:s6], [sflag:$0x1] =	stream.indirect_vreg.gather [hbm4b:s1+s3], $0x80, v3, vm0, $0xb8;
	[tilespmem:$0x10200] =	vst v63  }
0x13b: {  	v3 =	vld [tilespmem:$0x101B0];
	_ =	sdelay $0x4  }
0x13c: {  	v59 =	vshll.u32 v3, $0x1  }
0x13d: {  	v3 =	vand.u32 $0x7, v3;
	v4 =	vand.u32 $0xFFFFFFF0, v59  }
0x13e: {  	v3 =	vor.u32 v3, v4  }
0x13f: {  	v4 =	vperm.xlane v3, v0;
	_ =	sdelay $0x1  }
0x140: {  	v3 =	vperm.xlane v3, v2;
	v4 =	vadd.s32 v1, v4;
	_ =	sdelay $0x1  }
0x141: {  	v3 =	vadd.s32 v1, v3;
	_ =	sdelay $0x2  }
0x142: {  	[tilespmem:s7], [sflag:$0x1] =	stream.indirect_vreg.gather [hbm4b:s1+s3], $0x80, v4, vm0, $0xb8;
	[tilespmem:$0x10200] =	vst v63  }
0x143: {  	_ = 	snop  }
0x144: {  	[tilespmem:s8], [sflag:$0x1] =	stream.indirect_vreg.gather [hbm4b:s1+s3], $0x80, v3, vm0, $0xb8;
	[tilespmem:$0x10200] =	vst v63  }
0x145: {  	v3 =	vld [tilespmem:$0x101C0];
	_ =	sdelay $0x4  }
0x146: {  	v60 =	vshll.u32 v3, $0x1  }
0x147: {  	v3 =	vand.u32 $0x7, v3;
	v4 =	vand.u32 $0xFFFFFFF0, v60  }
0x148: {  	v3 =	vor.u32 v3, v4  }
0x149: {  	v4 =	vperm.xlane v3, v0;
	_ =	sdelay $0x1  }
0x14a: {  	v3 =	vperm.xlane v3, v2;
	v4 =	vadd.s32 v1, v4;
	_ =	sdelay $0x1  }
0x14b: {  	v3 =	vadd.s32 v1, v3;
	_ =	sdelay $0x2  }
0x14c: {  	[tilespmem:s9], [sflag:$0x1] =	stream.indirect_vreg.gather [hbm4b:s1+s3], $0x80, v4, vm0, $0xb8;
	[tilespmem:$0x10200] =	vst v63  }
0x14d: {  	_ = 	snop  }
0x14e: {  	[tilespmem:s5], [sflag:$0x1] =	stream.indirect_vreg.gather [hbm4b:s1+s3], $0x80, v3, vm0, $0xb8;
	[tilespmem:$0x10200] =	vst v63  }
0x14f: {  	v3 =	vld [tilespmem:$0x101D0];
	_ =	sdelay $0x4  }
0x150: {  	v61 =	vshll.u32 v3, $0x1  }
0x151: {  	v3 =	vand.u32 $0x7, v3;
	v4 =	vand.u32 $0xFFFFFFF0, v61  }
0x152: {  	v3 =	vor.u32 v3, v4  }
0x153: {  	v4 =	vperm.xlane v3, v0;
	_ =	sdelay $0x1  }
0x154: {  	v3 =	vperm.xlane v3, v2;
	v4 =	vadd.s32 v1, v4;
	_ =	sdelay $0x1  }
0x155: {  	v3 =	vadd.s32 v1, v3;
	_ =	sdelay $0x2  }
0x156: {  	[tilespmem:s21], [sflag:$0x1] =	stream.indirect_vreg.gather [hbm4b:s1+s3], $0x80, v4, vm0, $0xb8;
	[tilespmem:$0x10200] =	vst v63  }
0x157: {  	s13 =	simm.s32 $0xD800  }
0x158: {  	[tilespmem:s13], [sflag:$0x1] =	stream.indirect_vreg.gather [hbm4b:s1+s3], $0x80, v3, vm0, $0xb8;
	[tilespmem:$0x10200] =	vst v63  }
0x159: {  	v3 =	vld [tilespmem:$0x101E0];
	_ =	sdelay $0x4  }
0x15a: {  	v62 =	vshll.u32 v3, $0x1  }
0x15b: {  	v3 =	vand.u32 $0x7, v3;
	v4 =	vand.u32 $0xFFFFFFF0, v62  }
0x15c: {  	v3 =	vor.u32 v3, v4  }
0x15d: {  	v4 =	vperm.xlane v3, v0;
	_ =	sdelay $0x1  }
0x15e: {  	v3 =	vperm.xlane v3, v2;
	v4 =	vadd.s32 v1, v4;
	_ =	sdelay $0x1  }
0x15f: {  	v3 =	vadd.s32 v1, v3;
	_ =	sdelay $0x1  }
0x160: {  	s12 =	simm.s32 $0xE000  }
0x161: {  	[tilespmem:s12], [sflag:$0x1] =	stream.indirect_vreg.gather [hbm4b:s1+s3], $0x80, v4, vm0, $0xb8;
	[tilespmem:$0x10200] =	vst v63  }
0x162: {  	s13 =	simm.s32 $0xE800  }
0x163: {  	[tilespmem:s13], [sflag:$0x1] =	stream.indirect_vreg.gather [hbm4b:s1+s3], $0x80, v3, vm0, $0xb8;
	[tilespmem:$0x10200] =	vst v63  }
0x164: {  	v3 =	vld [tilespmem:$0x101F0];
	_ =	sdelay $0x4  }
0x165: {  	v63 =	vshll.u32 v3, $0x1  }
0x166: {  	v3 =	vand.u32 $0x7, v3;
	v4 =	vand.u32 $0xFFFFFFF0, v63  }
0x167: {  	v3 =	vor.u32 v3, v4  }
0x168: {  	v4 =	vperm.xlane v3, v0;
	_ =	sdelay $0x1  }
0x169: {  	v3 =	vperm.xlane v3, v2;
	v4 =	vadd.s32 v1, v4;
	_ =	sdelay $0x1  }
0x16a: {  	v3 =	vadd.s32 v1, v3;
	_ =	sdelay $0x1  }
0x16b: {  	s12 =	simm.s32 $0xF000  }
0x16c: {  	[tilespmem:s12], [sflag:$0x1] =	stream.indirect_vreg.gather [hbm4b:s1+s3], $0x80, v4, vm0, $0xb8;
	[tilespmem:$0x10200] =	vst v63  }
0x16d: {  	s13 =	simm.s32 $0xF800  }
0x16e: {  	[tilespmem:s13], [sflag:$0x1] =	stream.indirect_vreg.gather [hbm4b:s1+s3], $0x80, v3, vm0, $0xb8;
	[tilespmem:$0x10200] =	vst v63  }
0x16f: {  	_ =	swait.ge [sflag:s10], $0x8000  }
0x170: {  	[sflag:s10] =	ssyncset.done $0x0  }
0x171: {  	s2 =	rddreg [dreg:$0x7];
	[sflag:s10] =	ssyncadd.s32 $0xFFFF8000  }
0x172: {  	[hbm4b:s2+s3] =	stream.linear.scatter [tilespmem:s3], [sflag:$0x2], $0x8000, $0x38;
	[tilespmem:$0x10200] =	vst v63  }
0x173: {  	_ =	swait.ge [sflag:s10], $0x8000  }
0x174: {  	[sflag:s10] =	ssyncset.done $0x0  }
0x175: {  	s13 =	rddreg [dreg:$0x8];
	[sflag:s10] =	ssyncadd.s32 $0xFFFF8000  }
0x176: {  	[hbm4b:s13+s3] =	stream.linear.scatter [tilespmem:s0], [sflag:$0x2], $0x8000, $0x38;
	[tilespmem:$0x10200] =	vst v63  }
0x177: {  	p0 =	sne.s32 s4, $0x1;
	_ =	swait.ge [sflag:s11], $0x8000  }
.Ltmp0:
0x178: {  	[sflag:s11] =	ssyncset.done $0x0;
	(pc) =	sbr.rel @p0 .LBB2_1-.Ltmp0, $4  }
0x179: {  	[sflag:s11] =	ssyncadd.s32 $0xFFFF8000  }
0x17a: {  	_ =	swait.ge [sflag:s11], $0x8000  }
0x17b: {  	[sflag:s11] =	ssyncset.done $0x0  }
0x17c: {  	s4 =	sadd.s32 $0xFFFFFFFF, s4;
	[sflag:s11] =	ssyncadd.s32 $0xFFFF8000  }
0x17d: {  	_ =	sfence.sel $0x180000  }
0x17e: {  	[bflag:$0x0] =	sbarrier.arrive $0xFFFF  }
0x17f: {  	_ =	strace $0x9000004D  }
0x180: {  	s0 =	stileid.u32;
	[bflag:$0x2] =	sbarrier.arrive $0xFFFF  }
0x181: {  	p0 =	sne.s32 s0, $0x0;
	s0 =	rddreg [dreg:$0x3]  }
0x182: {  	s0 =	sadd.s32 @!p0 $0x100000, s0  }
0x183: {  	[sflag:s0] =	ssyncadd.tile.s32 @!p0 $0x1;
	_ =	shalt  }
.Lfunc_end2:
_tile_overlayer_lowered:
.L_overlay_start_2:
0x184: {  	(tag) =	ssettag $0x2  }
0x185: {  	s0 =	rddreg [dreg:$0x0];
	s2 =	stileid.u32  }
0x186: {  	s1 =	rddreg [dreg:$0x1];
	p0 =	sne.s32 s2, $0x0  }
0x187: {  	s3 =	rddreg [dreg:$0x2];
	[bflag:$0x3] =	sbarrier.arrive $0xFFFF;
	s2 =	simm.s32 @!p0 $0x1C03  }
0x188: {  	[timem:s3], [sflag:s2] =	dma.local @!p0 [hbm:s0], s1  }
0x189: {  	s0 =	simm.s32 @!p0 $0x3  }
0x18a: {  	_ =	swait.ge @!p0 [sflag:s0], s1  }
0x18b: {  	s1 =	ssub.s32 @!p0 $0x0, s1;
	[sflag:s0] =	ssyncset.done @!p0 $0x0  }
0x18c: {  	[sflag:s0] =	ssyncadd.s32 @!p0 s1  }
0x18d: {  	[bflag:$0x3] =	sbarrier.arrive $0xFFFF  }
0x18e: {  	_ =	shalt  }

// kernel: kernel.7.cloned.1.call-start
scs
__scs_entry_jumppad:
0x0: {  	(pc) =	sbr.rel $0x88, $3  }
0x1: {  	(tag) =	ssettag $0x0;
	lr =	simm.s32 $0x1  }
0x2: {  	[smem:$0x3F9F] =	sst lr;
	_ =	strace $0xD0000000  }
0x3: {  	_ = 	snop  }
0x4: {  	_ = 	snop  }
0x5: {  	_ = 	snop  }
0x6: {  	_ = 	snop  }
0x7: {  	_ = 	snop  }
__scs_overlays_trampoline_lowered:
0x8: {  	[smem:$0x3FAE] =	sst s0  }
0x9: {  	[smem:$0x3FAF] =	sst s1  }
0xa: {  	[smem:$0x3FB0] =	sst s2  }
0xb: {  	[smem:$0x3FB1] =	sst s3  }
0xc: {  	[smem:$0x3FB2] =	sst s4  }
0xd: {  	[smem:$0x3FB3] =	sst s5  }
0xe: {  	[smem:$0x3FB4] =	sst s6  }
0xf: {  	[smem:$0x3FB5] =	sst s7  }
0x10: {  	[smem:$0x3FB6] =	sst s8  }
0x11: {  	[smem:$0x3FB7] =	sst s9;
	s0 =	simm.s32 @!p0 $0x0  }
0x12: {  	s1 =	sld [smem:$0x3F9D];
	s0 =	simm.s32 @p0 $0x1  }
0x13: {  	[smem:$0x3FB8] =	sst s0;
	s0 =	simm.s32 @!p1 $0x0  }
0x14: {  	s2 =	sld [smem:$0x3F9C];
	s0 =	simm.s32 @p1 $0x1  }
0x15: {  	[smem:$0x3FB9] =	sst s0;
	s0 =	simm.s32 @!p2 $0x0  }
0x16: {  	s3 =	sld [smem:$0x3FDB];
	s0 =	simm.s32 @p2 $0x1  }
0x17: {  	s4 =	simm.s32 $0x1BF5;
	[smem:$0x3FBB] =	sst s0  }
0x18: {  	s0 =	sld [smem:$0x3F9E];
	_ =	swait.ge [sflag:s4], $0x0  }
0x19: {  	s7 =	sld [smem:$0x3F9F]  }
0x1a: {  	s8 =	sadd.s32 $0xFFFFE003, lr  }
0x1b: {  	s9 =	sadd.s32 $0xFFFFFEF7, lr;
	s5 =	simm.s32 $0xFFFFFFFF;
	p2 =	slt.u32 s8, $0xFFFFF086  }
0x1c: {  	p1 =	slt.u32 s9, $0xF7A;
	s5 =	simm.s32 @!p2 $0x0  }
0x1d: {  	s5 =	simm.s32 @p1 $0x1;
	p0 =	seq.s32 s7, s2  }
0x1e: {  	s7 =	smul.u32 @!p0 $0xF7A, s2;
	p2 =	seq.s32 @!p0 s5, $0x0  }
0x1f: {  	s9 =	smul.u32 $0xF7A, s1;
	s8 =	simm.s32 @!p0 $0x1BF5;
	p2 =	por !p2, p0  }
0x20: {  	[sflag:s8] =	ssyncset.s32 @!p0 $0xFFFFF086;
	s6 =	sadd.s32 @!p0 s3, s7;
	s7 =	simm.s32 @!p0 $0x108  }
0x21: {  	s3 =	sadd.s32 s3, s9;
	s6 =	sadd.s32 @!p0 $0x88, s6;
	s7 =	simm.s32 @p2 $0x1082  }
0x22: {  	[simem:s7], [sflag:s8] =	dma.local @!p0 [hbm:s6], $0xF7A  }
0x23: {  	s9 =	sor.u32 $0xD0000000, s2;
	s6 =	simm.s32 $0x108;
	_ =	swait.ge @!p0 [sflag:s8], $0x0  }
0x24: {  	s3 =	sadd.s32 $0x88, s3;
	s6 =	simm.s32 @!p1 $0x1082;
	[sflag:s4] =	ssyncset.s32 $0xFFFFF086  }
0x25: {  	[simem:s6], [sflag:s4] =	dma.local [hbm:s3], $0xF7A  }
0x26: {  	[smem:$0x3F9F] =	sst s1;
	(tag) =	ssettag s2;
	_ =	strace s9  }
0x27: {  	s1 =	sld [smem:$0x3FAF]  }
0x28: {  	s2 =	sld [smem:$0x3FB0]  }
0x29: {  	s4 =	sld [smem:$0x3FB2]  }
0x2a: {  	p0 =	seq.s32 s5, $0x0;
	s5 =	sld [smem:$0x3FB3]  }
0x2b: {  	s6 =	sld [smem:$0x3FB4]  }
0x2c: {  	s7 =	sld [smem:$0x3FB5]  }
0x2d: {  	s3 =	simm.s32 $0x108;
	s8 =	sld [smem:$0x3FB6]  }
0x2e: {  	s3 =	simm.s32 @!p0 $0x1082;
	s9 =	sld [smem:$0x3FB7]  }
0x2f: {  	lr =	sadd.s32 s0, s3;
	s0 =	sld [smem:$0x3FAE]  }
0x30: {  	s3 =	sld [smem:$0x3FB1]  }
0x31: {  	[smem:$0x3FBA] =	sst s10  }
0x32: {  	s10 =	sld [smem:$0x3FB8];
	_ =	sdelay $0x3  }
0x33: {  	p0 =	seq.s32 s10, $0x1;
	s10 =	sld [smem:$0x3FBA];
	_ =	sdelay $0x3  }
0x34: {  	[smem:$0x3FBA] =	sst s10  }
0x35: {  	s10 =	sld [smem:$0x3FB9];
	_ =	sdelay $0x3  }
0x36: {  	p1 =	seq.s32 s10, $0x1;
	s10 =	sld [smem:$0x3FBA];
	_ =	sdelay $0x3  }
0x37: {  	[smem:$0x3FBA] =	sst s10  }
0x38: {  	s10 =	sld [smem:$0x3FBB]  }
0x39: {  	_ = 	snop;
	(pc) =	sbr.ind lr, $3  }
0x3a: {  	_ = 	snop  }
0x3b: {  	_ = 	snop  }
0x3c: {  	p2 =	seq.s32 s10, $0x1;
	s10 =	sld [smem:$0x3FBA]  }
0x3d: {  	_ =	shalt  }
0x3e: {  	_ =	shalt  }
0x3f: {  	_ =	shalt  }
0x40: {  	_ =	shalt  }
0x41: {  	_ =	shalt  }
0x42: {  	_ =	shalt  }
0x43: {  	_ =	shalt  }
0x44: {  	_ =	shalt  }
0x45: {  	_ =	shalt  }
0x46: {  	_ =	shalt  }
0x47: {  	_ =	shalt  }
0x48: {  	_ =	shalt  }
0x49: {  	_ =	shalt  }
0x4a: {  	_ =	shalt  }
0x4b: {  	_ =	shalt  }
0x4c: {  	_ =	shalt  }
0x4d: {  	_ =	shalt  }
0x4e: {  	_ =	shalt  }
0x4f: {  	_ =	shalt  }
0x50: {  	_ =	shalt  }
0x51: {  	_ =	shalt  }
0x52: {  	_ =	shalt  }
0x53: {  	_ =	shalt  }
0x54: {  	_ =	shalt  }
0x55: {  	_ =	shalt  }
0x56: {  	_ =	shalt  }
0x57: {  	_ =	shalt  }
0x58: {  	_ =	shalt  }
0x59: {  	_ =	shalt  }
0x5a: {  	_ =	shalt  }
0x5b: {  	_ =	shalt  }
0x5c: {  	_ =	shalt  }
0x5d: {  	_ =	shalt  }
0x5e: {  	_ =	shalt  }
0x5f: {  	_ =	shalt  }
0x60: {  	_ =	shalt  }
0x61: {  	_ =	shalt  }
0x62: {  	_ =	shalt  }
0x63: {  	_ =	shalt  }
0x64: {  	_ =	shalt  }
0x65: {  	_ =	shalt  }
0x66: {  	_ =	shalt  }
0x67: {  	_ =	shalt  }
0x68: {  	_ =	shalt  }
0x69: {  	_ =	shalt  }
0x6a: {  	_ =	shalt  }
0x6b: {  	_ =	shalt  }
0x6c: {  	_ =	shalt  }
0x6d: {  	_ =	shalt  }
0x6e: {  	_ =	shalt  }
0x6f: {  	_ =	shalt  }
0x70: {  	_ =	shalt  }
0x71: {  	_ =	shalt  }
0x72: {  	_ =	shalt  }
0x73: {  	_ =	shalt  }
0x74: {  	_ =	shalt  }
0x75: {  	_ =	shalt  }
0x76: {  	_ =	shalt  }
0x77: {  	_ =	shalt  }
0x78: {  	_ =	shalt  }
0x79: {  	_ =	shalt  }
0x7a: {  	_ =	shalt  }
0x7b: {  	_ =	shalt  }
0x7c: {  	_ =	shalt  }
0x7d: {  	_ =	shalt  }
0x7e: {  	_ =	shalt  }
0x7f: {  	_ =	shalt  }
0x80: {  	_ =	shalt  }
0x81: {  	_ =	shalt  }
0x82: {  	_ =	shalt  }
0x83: {  	_ =	shalt  }
0x84: {  	_ =	shalt  }
0x85: {  	_ =	shalt  }
0x86: {  	_ =	shalt  }
0x87: {  	_ =	shalt  }
.Lfunc_end0:
.L_simem_size_0:
called_computation.1_lowered:
.L_overlay_start_0:
0x88: {  	s2 =	sld [smem:$0x3FD9]  }
0x89: {  	s3 =	sld [smem:$0x3FFE];
	_ =	sdelay $0x1  }
0x8a: {  	s1 =	srdreg.scid  }
0x8b: {  	s0 =	sand.u32 $0x1, s1  }
0x8c: {  	s15 =	sshll.u32 s0, $0xA;
	s2 =	sadd.s32 s3, s2  }
0x8d: {  	s2 =	sadd.s32 s2, s15  }
0x8e: {  	[smem:$0x3FC6] =	sst s2  }
0x8f: {  	_ = 	snop  }
0x90: {  	s2 =	sld [smem:$0x3FD0];
	_ =	sdelay $0x1  }
0x91: {  	s4 =	sld [smem:$0x3FC9]  }
0x92: {  	s5 =	simm.s32 $0xB;
	s6 =	simm.s32 $0x10;
	s16 =	sld [smem:$0x3FC8]  }
0x93: {  	[smem:s6], [sflag:s5] =	dma.local [hbm:s2], $0x1  }
0x94: {  	_ =	swait.eq [sflag:s5], $0x1  }
0x95: {  	[sflag:s5] =	ssyncset.done $0x0  }
0x96: {  	[sflag:s5] =	ssyncadd.s32 $0xFFFFFFFF  }
0x97: {  	s17 =	sld [smem:$0x10];
	(tm) =	ssettm $0x1  }
0x98: {  	s18 =	sld [smem:$0x3FFB];
	_ =	sdelay $0x3  }
0x99: {  	_ =	strace s18  }
0x9a: {  	s2 =	sld [smem:$0x3FFC];
	_ =	sdelay $0x3  }
0x9b: {  	_ =	strace s2  }
0x9c: {  	s2 =	sld [smem:$0x3FFD];
	_ =	sdelay $0x3  }
0x9d: {  	_ =	strace s2  }
0x9e: {  	_ =	strace $0x8FFFFFFF  }
0x9f: {  	s19 =	sld [smem:$0x3FDB];
	_ =	sdelay $0x1  }
0xa0: {  	s20 =	simm.s32 $_scs_section_size  }
0xa1: {  	s7 =	simm.s32 $_size__tile_overlayer_lowered;
	s8 =	simm.s32 $_tile_overlayer_lowered  }
0xa2: {  	s9 =	simm.s32 $0x1BFF;
	s21 =	sshll.u32 s8, $0x1;
	s6 =	sadd.s32 s20, s19  }
0xa3: {  	s22 =	simm.s32 $0x0;
	s7 =	sshll.u32 s7, $0x1;
	s8 =	sadd.s32 s21, s6  }
0xa4: {  	[timem:s22], [sflag:s9] =	dma.local [hbm:s8], s7  }
0xa5: {  	_ =	swait.ge [sflag:s9], s7  }
0xa6: {  	s7 =	ssub.s32 $0x0, s7;
	[sflag:s9] =	ssyncset.done $0x0  }
0xa7: {  	[sflag:s9] =	ssyncadd.s32 s7;
	_ =	sdelay $0x1  }
0xa8: {  	s23 =	simm.s32 $0x1B8B  }
0xa9: {  	_ =	swait.ge [sflag:s23], $0x1  }
0xaa: {  	[sflag:s23] =	ssyncset.done $0x0  }
0xab: {  	[sflag:s23] =	ssyncadd.s32 $0xFFFFFFFF  }
0xac: {  	s7 =	sld [smem:$0x0]  }
0xad: {  	s8 =	sand.u32 $0xFFFFFFFE, s1  }
0xae: {  	p0 =	sne.s32 s1, s8  }
0xaf: {  	s8 =	sshll.u32 @p0 s8, $0xE  }
0xb0: {  	s8 =	sadd.s32 @p0 $0x11B8D, s8;
	s9 =	sshll.u32 @p0 s7, $0x11  }
0xb1: {  	s8 =	sor.u32 @p0 s9, s8  }
0xb2: {  	[sflag:s8] =	ssyncadd.remote.s32 @p0 $0x1;
	_ =	sdelay $0x1  }
0xb3: {  	s8 =	simm.s32 @p0 $0x1B8D  }
0xb4: {  	_ =	swait.eq @p0 [sflag:s8], $0x1  }
0xb5: {  	[sflag:s8] =	ssyncadd.s32 @p0 $0xFFFFFFFF  }
0xb6: {  	s9 =	sshll.u32 @!p0 s1, $0xE  }
0xb7: {  	s9 =	sor.u32 @!p0 $0x4000, s9;
	s8 =	simm.s32 @!p0 $0x1B8D  }
0xb8: {  	s7 =	sshll.u32 @!p0 s7, $0x11;
	s9 =	sadd.s32 @!p0 $0x11B8D, s9;
	_ =	swait.eq @!p0 [sflag:s8], $0x1  }
0xb9: {  	s7 =	sor.u32 @!p0 s7, s9;
	[sflag:s8] =	ssyncadd.s32 @!p0 $0xFFFFFFFF  }
0xba: {  	s25 =	simm.s32 $0x1B8E;
	s24 =	sld [smem:$0x3FFE];
	[sflag:s7] =	ssyncadd.remote.s32 @!p0 $0x1  }
0xbb: {  	s26 =	simm.s32 $execute0_lowered;
	[smem:$0x3FD2] =	sst s25  }
0xbc: {  	s8 =	sshll.u32 s26, $0x1;
	_ =	strace $0x80000049;
	[dreg:$0x1] =	wrdreg $0xFFFFFFFF  }
0xbd: {  	s28 =	simm.s32 $_size_execute0_lowered;
	s6 =	sadd.s32 s6, s8;
	[dreg:$0x0] =	wrdreg $0x0  }
0xbe: {  	s8 =	sshll.u32 s28, $0x1;
	[dreg:$0x2] =	wrdreg s6  }
0xbf: {  	[dreg:$0x3] =	wrdreg s8  }
0xc0: {  	[dreg:$0x4] =	wrdreg $0xC0  }
0xc1: {  	_ =	task [dreg:s22], $0x5FFFF  }
0xc2: {  	[dreg:$0x1] =	wrdreg $0xFFFFFFFF  }
0xc3: {  	[dreg:$0x0] =	wrdreg $0x60  }
0xc4: {  	[dreg:$0x2] =	wrdreg s4  }
0xc5: {  	[dreg:$0x3] =	wrdreg s17  }
0xc6: {  	[dreg:$0x4] =	wrdreg s16  }
0xc7: {  	[dreg:$0x5] =	wrdreg s24  }
0xc8: {  	[dreg:$0x6] =	wrdreg $0x0  }
0xc9: {  	[dreg:$0x7] =	wrdreg $0x20000  }
0xca: {  	[dreg:$0x8] =	wrdreg $0x40000  }
0xcb: {  	[dreg:$0x9] =	wrdreg $0xA  }
0xcc: {  	_ =	task.clear_ibuf [dreg:s22], $0xAFFFF;
	_ =	strace $0x90000049  }
0xcd: {  	s29 =	simm.s32 $0xA;
	_ =	strace $0x8000004B  }
0xce: {  	_ =	swait.ge [sflag:s29], $0x1  }
0xcf: {  	[sflag:s29] =	ssyncadd.s32 $0xFFFFFFFF  }
0xd0: {  	_ =	strace $0x9000004B  }
0xd1: {  	_ =	sfence  }
0xd2: {  	s30 =	sld [smem:$0x0];
	_ =	sdelay $0x2  }
0xd3: {  	s31 =	sshll.u32 s1, $0xD;
	s1 =	sshrl.u32 s1, $0x2  }
0xd4: {  	s4 =	sand.u32 $0x4000, s31;
	s1 =	sadd.s32 s1, s30  }
0xd5: {  	s0 =	sor.u32 s4, s0;
	s1 =	sshll.u32 s1, $0x11  }
0xd6: {  	s0 =	sor.u32 s1, s0  }
0xd7: {  	s0 =	sadd.s32 $0x8F2B, s0  }
0xd8: {  	[sflag:s0] =	ssyncadd.remote.s32 $0x1  }
0xd9: {  	_ =	sfence.sel $0xFFFF  }
0xda: {  	[dreg:$0x0] =	wrdreg $0xFFFFFFFF;
	(pc) =	sbr.abs _section_cstart, $3  }
0xdb: {  	[dreg:$0x1] =	wrdreg $0xFFFFFFFF  }
0xdc: {  	_ =	task.clear_ibuf [dreg:s22], $0x2FFFF;
	_ =	strace $0x9FFFFFFF  }
0xdd: {  	(tm) =	ssettm $0x7FFFFFFF  }
tec
execute0_lowered:
.L_overlay_start_1:
0x0: {  	(tag) =	ssettag $0x1  }
0x1: {  	s24 =	rddreg [dreg:$0x0]  }
0x2: {  	s25 =	rddreg [dreg:$0x1]  }
0x3: {  	s7 =	rddreg [dreg:$0x2]  }
0x4: {  	s0 =	rddreg [dreg:$0x3]  }
0x5: {  	s1 =	rddreg [dreg:$0x4]  }
0x6: {  	s2 =	rddreg [dreg:$0x5]  }
0x7: {  	s3 =	rddreg [dreg:$0x6];
	s4 =	simm.s32 $0x0;
	s8 =	srdreg.scid  }
0x8: {  	s14 =	stileid.u32;
	[smem:$0x7FF] =	sst s4;
	s5 =	sadd.s32 $0x3400, s0  }
0x9: {  	s6 =	sadd.s32 $0x3000, s0;
	s13 =	sadd.s32 $0x3800, s0;
	s30 =	sand.u32 $0x1, s8  }
0xa: {  	s29 =	sshll.u32 s14, $0xD;
	s15 =	sshll.u32 s14, $0x7;
	s16 =	sshll.u32 s14, $0xE  }
0xb: {  	s17 =	sshll.u32 s14, $0x6;
	_ =	strace $0x8000004A;
	s9 =	sshll.u32 s30, $0x6  }
0xc: {  	[dreg:$0x8] =	wrdreg s6;
	s10 =	sshll.u32 s30, $0xD;
	s7 =	sadd.s32 s7, s9  }
0xd: {  	[dreg:$0x9] =	wrdreg s13;
	s26 =	sor.u32 s10, s16;
	s7 =	sadd.s32 s15, s7  }
0xe: {  	s8 =	simm.s32 $0x2;
	s19 =	sadd.s32 s24, s26;
	[dreg:$0xa] =	wrdreg s7  }
0xf: {  	s9 =	sadd.s32 s25, s26;
	s18 =	sor.u32 $0x800, s26;
	[dreg:$0xb] =	wrdreg s19  }
0x10: {  	s11 =	sadd.s32 s29, s1;
	[dreg:$0xc] =	wrdreg s9;
	s20 =	sadd.s32 s24, s18  }
0x11: {  	s7 =	sor.u32 $0x1C02, s17;
	s9 =	sshrl.u32 s11, $0x3;
	[dreg:$0xd] =	wrdreg s20  }
0x12: {  	[spmem:s9], [sflag:s7] =	dma.local [hbm:s5], $0x400  }
0x13: {  	_ =	swait.ge [sflag:s8], $0x400  }
0x14: {  	s21 =	sadd.s32 s29, s2;
	[sflag:s8] =	ssyncset.done $0x0  }
0x15: {  	s10 =	sshrl.u32 s21, $0x3;
	[sflag:s8] =	ssyncadd.s32 $0xFFFFFC00  }
0x16: {  	[spmem:s10], [sflag:s7] =	dma.local [hbm:s5], $0x400  }
0x17: {  	_ =	swait.ge [sflag:s8], $0x400  }
0x18: {  	s22 =	sadd.s32 s29, s3;
	[sflag:s8] =	ssyncset.done $0x0  }
0x19: {  	s11 =	sshrl.u32 s22, $0x3;
	s12 =	rddreg [dreg:$0x8];
	[sflag:s8] =	ssyncadd.s32 $0xFFFFFC00  }
0x1a: {  	[spmem:s11], [sflag:s7] =	dma.local [hbm:s12], $0x400  }
0x1b: {  	_ =	swait.ge [sflag:s8], $0x400  }
0x1c: {  	[sflag:s8] =	ssyncset.done $0x0  }
0x1d: {  	s12 =	simm.s32 $0x14600;
	s13 =	rddreg [dreg:$0x9];
	[sflag:s8] =	ssyncadd.s32 $0xFFFFFC00  }
0x1e: {  	[tilespmem:s12], [sflag:$0x2] =	stream.linear.gather [hbm4b:s13+s4], $0x4000, $0x38;
	[tilespmem:$0x18600] =	vst v63  }
0x1f: {  	_ =	swait.ge [sflag:s8], $0x4000  }
0x20: {  	[sflag:s8] =	ssyncset.done $0x0  }
0x21: {  	s13 =	simm.s32 $0x14400;
	s14 =	rddreg [dreg:$0xa];
	[sflag:s8] =	ssyncadd.s32 $0xFFFFC000  }
0x22: {  	[tilespmem:s13], [sflag:$0x2] =	stream.linear.gather [hbm4b:s14+s4], $0x200, $0x38;
	[tilespmem:$0x18600] =	vst v63  }
0x23: {  	_ =	swait.ge [sflag:s8], $0x200  }
0x24: {  	[sflag:s8] =	ssyncset.done $0x0  }
0x25: {  	[sflag:s8] =	ssyncadd.s32 $0xFFFFFE00  }
0x26: {  	[bflag:$0x0] =	sbarrier.arrive $0xFFFF  }
0x27: {  	s14 =	simm.s32 $0x4400;
	s15 =	rddreg [dreg:$0xb]  }
0x28: {  	[tilespmem:s14], [sflag:$0x1] =	stream.linear.gather [hbm4b:s15+s4], $0x4000, $0x38;
	[tilespmem:$0x18600] =	vst v63  }
0x29: {  	s16 =	simm.s32 $0x1;
	s17 =	rddreg [dreg:$0xc];
	s15 =	simm.s32 $0xC400  }
0x2a: {  	[tilespmem:s15], [sflag:$0x1] =	stream.linear.gather [hbm4b:s17+s4], $0x4000, $0x38;
	[tilespmem:$0x18600] =	vst v63  }
0x2b: {  	_ =	swait.ge [sflag:s16], $0x4000  }
0x2c: {  	[sflag:s16] =	ssyncset.done $0x0  }
0x2d: {  	[sflag:s16] =	ssyncadd.s32 $0xFFFFC000  }
0x2e: {  	_ =	swait.ge [sflag:s16], $0x4000  }
0x2f: {  	[sflag:s16] =	ssyncset.done $0x0  }
0x30: {  	s17 =	simm.s32 $0x8400;
	s19 =	rddreg [dreg:$0xd];
	[sflag:s16] =	ssyncadd.s32 $0xFFFFC000  }
0x31: {  	[tilespmem:s17], [sflag:$0x1] =	stream.linear.gather [hbm4b:s19+s4], $0x4000, $0x38;
	[tilespmem:$0x18600] =	vst v63  }
0x32: {  	s23 =	sadd.s32 s25, s18;
	s19 =	simm.s32 $0x10400  }
0x33: {  	[tilespmem:s19], [sflag:$0x1] =	stream.linear.gather [hbm4b:s23+s4], $0x4000, $0x38;
	[tilespmem:$0x18600] =	vst v63  }
0x34: {  	s20 =	simm.s32 $0x80;
	[dreg:$0xe] =	wrdreg s23  }
0x35: {  	[spmem:s1] =	stream.indirect.scatter.add.f32 [tilespmem:s14], [sflag:$0x2], $0x80, s13, s20, $0xb8;
	[tilespmem:$0x18600] =	vst v63  }
0x36: {  	_ =	swait.ge [sflag:s8], $0x4000  }
0x37: {  	[sflag:s8] =	ssyncset.done $0x0  }
0x38: {  	[sflag:s8] =	ssyncadd.s32 $0xFFFFC000  }
0x39: {  	[spmem:s2] =	stream.indirect.scatter.add.f32 [tilespmem:s15], [sflag:$0x2], $0x80, s13, s20, $0xb8;
	[tilespmem:$0x18600] =	vst v63  }
0x3a: {  	_ =	swait.ge [sflag:s8], $0x4000  }
0x3b: {  	[sflag:s8] =	ssyncset.done $0x0  }
0x3c: {  	[sflag:s8] =	ssyncadd.s32 $0xFFFFC000  }
0x3d: {  	[spmem:s3] =	stream.indirect.scatter.add.f32 [tilespmem:s12], [sflag:$0x2], $0x10, s13, s20, $0xb8;
	[tilespmem:$0x18600] =	vst v63  }
0x3e: {  	_ =	swait.ge [sflag:s8], $0x800  }
0x3f: {  	[sflag:s8] =	ssyncset.done $0x0  }
0x40: {  	[sflag:s8] =	ssyncadd.s32 $0xFFFFF800  }
0x41: {  	_ =	swait.ge [sflag:s16], $0x4000  }
0x42: {  	[sflag:s16] =	ssyncset.done $0x0  }
0x43: {  	[sflag:s16] =	ssyncadd.s32 $0xFFFFC000  }
0x44: {  	_ =	swait.ge [sflag:s16], $0x4000  }
0x45: {  	s22 =	sor.u32 $0x1000, s26;
	[sflag:s16] =	ssyncset.done $0x0  }
0x46: {  	s21 =	sadd.s32 s24, s22;
	[sflag:s16] =	ssyncadd.s32 $0xFFFFC000  }
0x47: {  	[tilespmem:s14], [sflag:$0x1] =	stream.linear.gather [hbm4b:s21+s4], $0x4000, $0x38;
	[tilespmem:$0x18600] =	vst v63  }
0x48: {  	s22 =	sadd.s32 s25, s22  }
0x49: {  	[tilespmem:s15], [sflag:$0x1] =	stream.linear.gather [hbm4b:s22+s4], $0x4000, $0x38;
	[tilespmem:$0x18600] =	vst v63  }
0x4a: {  	s23 =	simm.s32 $0x14480  }
0x4b: {  	[spmem:s1] =	stream.indirect.scatter.add.f32 [tilespmem:s17], [sflag:$0x2], $0x80, s23, s20, $0xb8;
	[tilespmem:$0x18600] =	vst v63  }
0x4c: {  	_ =	swait.ge [sflag:s8], $0x4000  }
0x4d: {  	[sflag:s8] =	ssyncset.done $0x0  }
0x4e: {  	[sflag:s8] =	ssyncadd.s32 $0xFFFFC000  }
0x4f: {  	[spmem:s2] =	stream.indirect.scatter.add.f32 [tilespmem:s19], [sflag:$0x2], $0x80, s23, s20, $0xb8;
	[tilespmem:$0x18600] =	vst v63  }
0x50: {  	_ =	swait.ge [sflag:s8], $0x4000  }
0x51: {  	[sflag:s8] =	ssyncset.done $0x0  }
0x52: {  	[sflag:s8] =	ssyncadd.s32 $0xFFFFC000  }
0x53: {  	[spmem:s3] =	stream.indirect.scatter.add.f32 [tilespmem:s12], [sflag:$0x2], $0x10, s23, s20, $0xb8;
	[tilespmem:$0x18600] =	vst v63  }
0x54: {  	_ =	swait.ge [sflag:s8], $0x800  }
0x55: {  	[sflag:s8] =	ssyncset.done $0x0  }
0x56: {  	[sflag:s8] =	ssyncadd.s32 $0xFFFFF800  }
0x57: {  	_ =	swait.ge [sflag:s16], $0x4000  }
0x58: {  	[sflag:s16] =	ssyncset.done $0x0  }
0x59: {  	[sflag:s16] =	ssyncadd.s32 $0xFFFFC000  }
0x5a: {  	_ =	swait.ge [sflag:s16], $0x4000  }
0x5b: {  	s26 =	sor.u32 $0x1800, s26;
	[sflag:s16] =	ssyncset.done $0x0  }
0x5c: {  	s24 =	sadd.s32 s24, s26;
	[sflag:s16] =	ssyncadd.s32 $0xFFFFC000  }
0x5d: {  	[tilespmem:s17], [sflag:$0x1] =	stream.linear.gather [hbm4b:s24+s4], $0x4000, $0x38;
	[tilespmem:$0x18600] =	vst v63  }
0x5e: {  	s25 =	sadd.s32 s25, s26  }
0x5f: {  	[tilespmem:s19], [sflag:$0x1] =	stream.linear.gather [hbm4b:s25+s4], $0x4000, $0x38;
	[tilespmem:$0x18600] =	vst v63  }
0x60: {  	s26 =	simm.s32 $0x14500  }
0x61: {  	[spmem:s1] =	stream.indirect.scatter.add.f32 [tilespmem:s14], [sflag:$0x2], $0x80, s26, s20, $0xb8;
	[tilespmem:$0x18600] =	vst v63  }
0x62: {  	_ =	swait.ge [sflag:s8], $0x4000  }
0x63: {  	[sflag:s8] =	ssyncset.done $0x0  }
0x64: {  	[sflag:s8] =	ssyncadd.s32 $0xFFFFC000  }
0x65: {  	[spmem:s2] =	stream.indirect.scatter.add.f32 [tilespmem:s15], [sflag:$0x2], $0x80, s26, s20, $0xb8;
	[tilespmem:$0x18600] =	vst v63  }
0x66: {  	_ =	swait.ge [sflag:s8], $0x4000  }
0x67: {  	[sflag:s8] =	ssyncset.done $0x0  }
0x68: {  	[sflag:s8] =	ssyncadd.s32 $0xFFFFC000  }
0x69: {  	[spmem:s3] =	stream.indirect.scatter.add.f32 [tilespmem:s12], [sflag:$0x2], $0x10, s26, s20, $0xb8;
	[tilespmem:$0x18600] =	vst v63  }
0x6a: {  	_ =	swait.ge [sflag:s8], $0x800  }
0x6b: {  	[sflag:s8] =	ssyncset.done $0x0  }
0x6c: {  	[sflag:s8] =	ssyncadd.s32 $0xFFFFF800  }
0x6d: {  	_ =	swait.ge [sflag:s16], $0x4000  }
0x6e: {  	[sflag:s16] =	ssyncset.done $0x0  }
0x6f: {  	[sflag:s16] =	ssyncadd.s32 $0xFFFFC000  }
0x70: {  	_ =	swait.ge [sflag:s16], $0x4000  }
0x71: {  	[sflag:s16] =	ssyncset.done $0x0  }
0x72: {  	s28 =	simm.s32 $0x14580;
	[sflag:s16] =	ssyncadd.s32 $0xFFFFC000  }
0x73: {  	[spmem:s1] =	stream.indirect.scatter.add.f32 [tilespmem:s17], [sflag:$0x2], $0x80, s28, s20, $0xb8;
	[tilespmem:$0x18600] =	vst v63  }
0x74: {  	_ =	swait.ge [sflag:s8], $0x4000  }
0x75: {  	[sflag:s8] =	ssyncset.done $0x0  }
0x76: {  	[sflag:s8] =	ssyncadd.s32 $0xFFFFC000  }
0x77: {  	[spmem:s2] =	stream.indirect.scatter.add.f32 [tilespmem:s19], [sflag:$0x2], $0x80, s28, s20, $0xb8;
	[tilespmem:$0x18600] =	vst v63  }
0x78: {  	_ =	swait.ge [sflag:s8], $0x4000  }
0x79: {  	[sflag:s8] =	ssyncset.done $0x0  }
0x7a: {  	s31 =	sshll.u32 s30, $0x11;
	[sflag:s8] =	ssyncadd.s32 $0xFFFFC000  }
0x7b: {  	[spmem:s3] =	stream.indirect.scatter.add.f32 [tilespmem:s12], [sflag:$0x2], $0x10, s28, s20, $0xb8;
	[tilespmem:$0x18600] =	vst v63  }
0x7c: {  	s29 =	sor.u32 s29, s31;
	_ =	swait.ge [sflag:s8], $0x800  }
0x7d: {  	s29 =	sshrl.u32 s29, $0x3;
	[sflag:s8] =	ssyncset.done $0x0  }
0x7e: {  	s0 =	sadd.s32 s29, s0;
	[sflag:s8] =	ssyncadd.s32 $0xFFFFF800  }
0x7f: {  	s31 =	ssub.s32 $0x2, s30;
	s29 =	sadd.s32 $0x4000, s0;
	[bflag:$0x0] =	sbarrier.arrive $0xFFFF  }
0x80: {  	[hbm:s29], [sflag:s7] =	dma.local [spmem:s9], $0x400  }
0x81: {  	s18 =	sshrl.u32 s31, $0x1;
	_ =	swait.ge [sflag:s8], $0x400  }
0x82: {  	s6 =	ssub.s32 s31, s18;
	[sflag:s8] =	ssyncset.done $0x0  }
0x83: {  	s30 =	sadd.s32 $0xC000, s0;
	s18 =	smax.u32 s6, $0x1;
	[sflag:s8] =	ssyncadd.s32 $0xFFFFFC00  }
0x84: {  	[hbm:s30], [sflag:s7] =	dma.local [spmem:s10], $0x400  }
0x85: {  	p0 =	sne.s32 s18, $0x1;
	_ =	swait.ge [sflag:s8], $0x400  }
.Ltmp0:
0x86: {  	[sflag:s8] =	ssyncset.done $0x0;
	(pc) =	sbr.rel @!p0 .LBB2_2-.Ltmp0, $4  }
0x87: {  	s31 =	sadd.s32 $0x14000, s0;
	[sflag:s8] =	ssyncadd.s32 $0xFFFFFC00  }
0x88: {  	[hbm:s31], [sflag:s7] =	dma.local [spmem:s11], $0x400  }
0x89: {  	_ =	swait.ge [sflag:s8], $0x400  }
0x8a: {  	s0 =	sadd.s32 $0xFFFFFFFF, s18;
	[sflag:s8] =	ssyncset.done $0x0  }
.LBB2_1:
0x8b: {  	[sflag:s8] =	ssyncadd.s32 $0xFFFFFC00  }
0x8c: {  	[spmem:s9], [sflag:s7] =	dma.local [hbm:s5], $0x400  }
0x8d: {  	_ =	swait.ge [sflag:s8], $0x400  }
0x8e: {  	[sflag:s8] =	ssyncset.done $0x0  }
0x8f: {  	[sflag:s8] =	ssyncadd.s32 $0xFFFFFC00  }
0x90: {  	[spmem:s10], [sflag:s7] =	dma.local [hbm:s5], $0x400  }
0x91: {  	_ =	swait.ge [sflag:s8], $0x400  }
0x92: {  	[sflag:s8] =	ssyncset.done $0x0  }
0x93: {  	s6 =	rddreg [dreg:$0x8];
	[sflag:s8] =	ssyncadd.s32 $0xFFFFFC00  }
0x94: {  	[spmem:s11], [sflag:s7] =	dma.local [hbm:s6], $0x400  }
0x95: {  	_ =	swait.ge [sflag:s8], $0x400  }
0x96: {  	[sflag:s8] =	ssyncset.done $0x0  }
0x97: {  	s18 =	rddreg [dreg:$0x9];
	[sflag:s8] =	ssyncadd.s32 $0xFFFFFC00  }
0x98: {  	[tilespmem:s12], [sflag:$0x2] =	stream.linear.gather [hbm4b:s18+s4], $0x4000, $0x38;
	[tilespmem:$0x18600] =	vst v63  }
0x99: {  	_ =	swait.ge [sflag:s8], $0x4000  }
0x9a: {  	[sflag:s8] =	ssyncset.done $0x0  }
0x9b: {  	s18 =	rddreg [dreg:$0xa];
	[sflag:s8] =	ssyncadd.s32 $0xFFFFC000  }
0x9c: {  	[tilespmem:s13], [sflag:$0x2] =	stream.linear.gather [hbm4b:s18+s4], $0x200, $0x38;
	[tilespmem:$0x18600] =	vst v63  }
0x9d: {  	_ =	swait.ge [sflag:s8], $0x200  }
0x9e: {  	[sflag:s8] =	ssyncset.done $0x0  }
0x9f: {  	[sflag:s8] =	ssyncadd.s32 $0xFFFFFE00  }
0xa0: {  	[bflag:$0x0] =	sbarrier.arrive $0xFFFF  }
0xa1: {  	s6 =	rddreg [dreg:$0xb]  }
0xa2: {  	[tilespmem:s14], [sflag:$0x1] =	stream.linear.gather [hbm4b:s6+s4], $0x4000, $0x38;
	[tilespmem:$0x18600] =	vst v63  }
0xa3: {  	s18 =	rddreg [dreg:$0xc]  }
0xa4: {  	[tilespmem:s15], [sflag:$0x1] =	stream.linear.gather [hbm4b:s18+s4], $0x4000, $0x38;
	[tilespmem:$0x18600] =	vst v63  }
0xa5: {  	_ =	swait.ge [sflag:s16], $0x4000  }
0xa6: {  	[sflag:s16] =	ssyncset.done $0x0  }
0xa7: {  	[sflag:s16] =	ssyncadd.s32 $0xFFFFC000  }
0xa8: {  	_ =	swait.ge [sflag:s16], $0x4000  }
0xa9: {  	[sflag:s16] =	ssyncset.done $0x0  }
0xaa: {  	s18 =	rddreg [dreg:$0xd];
	[sflag:s16] =	ssyncadd.s32 $0xFFFFC000  }
0xab: {  	[tilespmem:s17], [sflag:$0x1] =	stream.linear.gather [hbm4b:s18+s4], $0x4000, $0x38;
	[tilespmem:$0x18600] =	vst v63  }
0xac: {  	s18 =	rddreg [dreg:$0xe]  }
0xad: {  	[tilespmem:s19], [sflag:$0x1] =	stream.linear.gather [hbm4b:s18+s4], $0x4000, $0x38;
	[tilespmem:$0x18600] =	vst v63  }
0xae: {  	_ = 	snop  }
0xaf: {  	[spmem:s1] =	stream.indirect.scatter.add.f32 [tilespmem:s14], [sflag:$0x2], $0x80, s13, s20, $0xb8;
	[tilespmem:$0x18600] =	vst v63  }
0xb0: {  	_ =	swait.ge [sflag:s8], $0x4000  }
0xb1: {  	[sflag:s8] =	ssyncset.done $0x0  }
0xb2: {  	[sflag:s8] =	ssyncadd.s32 $0xFFFFC000  }
0xb3: {  	[spmem:s2] =	stream.indirect.scatter.add.f32 [tilespmem:s15], [sflag:$0x2], $0x80, s13, s20, $0xb8;
	[tilespmem:$0x18600] =	vst v63  }
0xb4: {  	_ =	swait.ge [sflag:s8], $0x4000  }
0xb5: {  	[sflag:s8] =	ssyncset.done $0x0  }
0xb6: {  	[sflag:s8] =	ssyncadd.s32 $0xFFFFC000  }
0xb7: {  	[spmem:s3] =	stream.indirect.scatter.add.f32 [tilespmem:s12], [sflag:$0x2], $0x10, s13, s20, $0xb8;
	[tilespmem:$0x18600] =	vst v63  }
0xb8: {  	_ =	swait.ge [sflag:s8], $0x800  }
0xb9: {  	[sflag:s8] =	ssyncset.done $0x0  }
0xba: {  	[sflag:s8] =	ssyncadd.s32 $0xFFFFF800  }
0xbb: {  	_ =	swait.ge [sflag:s16], $0x4000  }
0xbc: {  	[sflag:s16] =	ssyncset.done $0x0  }
0xbd: {  	[sflag:s16] =	ssyncadd.s32 $0xFFFFC000  }
0xbe: {  	_ =	swait.ge [sflag:s16], $0x4000  }
0xbf: {  	[sflag:s16] =	ssyncset.done $0x0  }
0xc0: {  	[sflag:s16] =	ssyncadd.s32 $0xFFFFC000  }
0xc1: {  	[tilespmem:s14], [sflag:$0x1] =	stream.linear.gather [hbm4b:s21+s4], $0x4000, $0x38;
	[tilespmem:$0x18600] =	vst v63  }
0xc2: {  	_ = 	snop  }
0xc3: {  	[tilespmem:s15], [sflag:$0x1] =	stream.linear.gather [hbm4b:s22+s4], $0x4000, $0x38;
	[tilespmem:$0x18600] =	vst v63  }
0xc4: {  	_ = 	snop  }
0xc5: {  	[spmem:s1] =	stream.indirect.scatter.add.f32 [tilespmem:s17], [sflag:$0x2], $0x80, s23, s20, $0xb8;
	[tilespmem:$0x18600] =	vst v63  }
0xc6: {  	_ =	swait.ge [sflag:s8], $0x4000  }
0xc7: {  	[sflag:s8] =	ssyncset.done $0x0  }
0xc8: {  	[sflag:s8] =	ssyncadd.s32 $0xFFFFC000  }
0xc9: {  	[spmem:s2] =	stream.indirect.scatter.add.f32 [tilespmem:s19], [sflag:$0x2], $0x80, s23, s20, $0xb8;
	[tilespmem:$0x18600] =	vst v63  }
0xca: {  	_ =	swait.ge [sflag:s8], $0x4000  }
0xcb: {  	[sflag:s8] =	ssyncset.done $0x0  }
0xcc: {  	[sflag:s8] =	ssyncadd.s32 $0xFFFFC000  }
0xcd: {  	[spmem:s3] =	stream.indirect.scatter.add.f32 [tilespmem:s12], [sflag:$0x2], $0x10, s23, s20, $0xb8;
	[tilespmem:$0x18600] =	vst v63  }
0xce: {  	_ =	swait.ge [sflag:s8], $0x800  }
0xcf: {  	[sflag:s8] =	ssyncset.done $0x0  }
0xd0: {  	[sflag:s8] =	ssyncadd.s32 $0xFFFFF800  }
0xd1: {  	_ =	swait.ge [sflag:s16], $0x4000  }
0xd2: {  	[sflag:s16] =	ssyncset.done $0x0  }
0xd3: {  	[sflag:s16] =	ssyncadd.s32 $0xFFFFC000  }
0xd4: {  	_ =	swait.ge [sflag:s16], $0x4000  }
0xd5: {  	[sflag:s16] =	ssyncset.done $0x0  }
0xd6: {  	[sflag:s16] =	ssyncadd.s32 $0xFFFFC000  }
0xd7: {  	[tilespmem:s17], [sflag:$0x1] =	stream.linear.gather [hbm4b:s24+s4], $0x4000, $0x38;
	[tilespmem:$0x18600] =	vst v63  }
0xd8: {  	_ = 	snop  }
0xd9: {  	[tilespmem:s19], [sflag:$0x1] =	stream.linear.gather [hbm4b:s25+s4], $0x4000, $0x38;
	[tilespmem:$0x18600] =	vst v63  }
0xda: {  	_ = 	snop  }
0xdb: {  	[spmem:s1] =	stream.indirect.scatter.add.f32 [tilespmem:s14], [sflag:$0x2], $0x80, s26, s20, $0xb8;
	[tilespmem:$0x18600] =	vst v63  }
0xdc: {  	_ =	swait.ge [sflag:s8], $0x4000  }
0xdd: {  	[sflag:s8] =	ssyncset.done $0x0  }
0xde: {  	[sflag:s8] =	ssyncadd.s32 $0xFFFFC000  }
0xdf: {  	[spmem:s2] =	stream.indirect.scatter.add.f32 [tilespmem:s15], [sflag:$0x2], $0x80, s26, s20, $0xb8;
	[tilespmem:$0x18600] =	vst v63  }
0xe0: {  	_ =	swait.ge [sflag:s8], $0x4000  }
0xe1: {  	[sflag:s8] =	ssyncset.done $0x0  }
0xe2: {  	[sflag:s8] =	ssyncadd.s32 $0xFFFFC000  }
0xe3: {  	[spmem:s3] =	stream.indirect.scatter.add.f32 [tilespmem:s12], [sflag:$0x2], $0x10, s26, s20, $0xb8;
	[tilespmem:$0x18600] =	vst v63  }
0xe4: {  	_ =	swait.ge [sflag:s8], $0x800  }
0xe5: {  	[sflag:s8] =	ssyncset.done $0x0  }
0xe6: {  	[sflag:s8] =	ssyncadd.s32 $0xFFFFF800  }
0xe7: {  	_ =	swait.ge [sflag:s16], $0x4000  }
0xe8: {  	[sflag:s16] =	ssyncset.done $0x0  }
0xe9: {  	[sflag:s16] =	ssyncadd.s32 $0xFFFFC000  }
0xea: {  	_ =	swait.ge [sflag:s16], $0x4000  }
0xeb: {  	[sflag:s16] =	ssyncset.done $0x0  }
0xec: {  	[sflag:s16] =	ssyncadd.s32 $0xFFFFC000  }
0xed: {  	[spmem:s1] =	stream.indirect.scatter.add.f32 [tilespmem:s17], [sflag:$0x2], $0x80, s28, s20, $0xb8;
	[tilespmem:$0x18600] =	vst v63  }
0xee: {  	_ =	swait.ge [sflag:s8], $0x4000  }
0xef: {  	[sflag:s8] =	ssyncset.done $0x0  }
0xf0: {  	[sflag:s8] =	ssyncadd.s32 $0xFFFFC000  }
0xf1: {  	[spmem:s2] =	stream.indirect.scatter.add.f32 [tilespmem:s19], [sflag:$0x2], $0x80, s28, s20, $0xb8;
	[tilespmem:$0x18600] =	vst v63  }
0xf2: {  	_ =	swait.ge [sflag:s8], $0x4000  }
0xf3: {  	[sflag:s8] =	ssyncset.done $0x0  }
0xf4: {  	[sflag:s8] =	ssyncadd.s32 $0xFFFFC000  }
0xf5: {  	[spmem:s3] =	stream.indirect.scatter.add.f32 [tilespmem:s12], [sflag:$0x2], $0x10, s28, s20, $0xb8;
	[tilespmem:$0x18600] =	vst v63  }
0xf6: {  	_ =	swait.ge [sflag:s8], $0x800  }
0xf7: {  	[sflag:s8] =	ssyncset.done $0x0  }
0xf8: {  	[sflag:s8] =	ssyncadd.s32 $0xFFFFF800  }
0xf9: {  	[bflag:$0x0] =	sbarrier.arrive $0xFFFF  }
0xfa: {  	[hbm:s29], [sflag:s7] =	dma.local [spmem:s9], $0x400  }
0xfb: {  	_ =	swait.ge [sflag:s8], $0x400  }
0xfc: {  	[sflag:s8] =	ssyncset.done $0x0  }
0xfd: {  	[sflag:s8] =	ssyncadd.s32 $0xFFFFFC00  }
0xfe: {  	[hbm:s30], [sflag:s7] =	dma.local [spmem:s10], $0x400  }
0xff: {  	p0 =	sne.s32 s0, $0x1;
	_ =	swait.ge [sflag:s8], $0x400  }
.Ltmp1:
0x100: {  	[sflag:s8] =	ssyncset.done $0x0;
	(pc) =	sbr.rel @p0 .LBB2_1-.Ltmp1, $4  }
0x101: {  	[sflag:s8] =	ssyncadd.s32 $0xFFFFFC00  }
0x102: {  	[hbm:s31], [sflag:s7] =	dma.local [spmem:s11], $0x400  }
0x103: {  	_ =	swait.ge [sflag:s8], $0x400  }
0x104: {  	s0 =	sadd.s32 $0xFFFFFFFF, s0;
	[sflag:s8] =	ssyncset.done $0x0  }
.LBB2_2:
0x105: {  	[sflag:s8] =	ssyncadd.s32 $0xFFFFFC00  }
0x106: {  	_ =	sfence.sel $0x180000  }
0x107: {  	[bflag:$0x0] =	sbarrier.arrive $0xFFFF  }
0x108: {  	_ =	strace $0x9000004A  }
0x109: {  	s0 =	stileid.u32;
	[bflag:$0x2] =	sbarrier.arrive $0xFFFF  }
0x10a: {  	p0 =	sne.s32 s0, $0x0;
	s0 =	rddreg [dreg:$0x7]  }
0x10b: {  	s0 =	sadd.s32 @!p0 $0x100000, s0  }
0x10c: {  	[sflag:s0] =	ssyncadd.tile.s32 @!p0 $0x1;
	_ =	shalt  }
.Lfunc_end2:
_tile_overlayer_lowered:
.L_overlay_start_2:
0x10d: {  	(tag) =	ssettag $0x2  }
0x10e: {  	s0 =	rddreg [dreg:$0x0];
	s2 =	stileid.u32  }
0x10f: {  	s1 =	rddreg [dreg:$0x1];
	p0 =	sne.s32 s2, $0x0  }
0x110: {  	s3 =	rddreg [dreg:$0x2];
	[bflag:$0x3] =	sbarrier.arrive $0xFFFF;
	s2 =	simm.s32 @!p0 $0x1C02  }
0x111: {  	[timem:s3], [sflag:s2] =	dma.local @!p0 [hbm:s0], s1  }
0x112: {  	s0 =	simm.s32 @!p0 $0x2  }
0x113: {  	_ =	swait.ge @!p0 [sflag:s0], s1  }
0x114: {  	s1 =	ssub.s32 @!p0 $0x0, s1;
	[sflag:s0] =	ssyncset.done @!p0 $0x0  }
0x115: {  	[sflag:s0] =	ssyncadd.s32 @!p0 s1  }
0x116: {  	[bflag:$0x3] =	sbarrier.arrive $0xFFFF  }
0x117: {  	_ =	shalt  }

</sc_bundles>
